<compile_context>
chip_gen: v7x
topology: tpu7x:2x2x1
jax: 0.10.2.dev20260603
libtpu: 0.0.44.dev20260713+nightly
codegen_flags: <defaults>
</compile_context>

<pallas_src>
import functools

import jax
import jax.numpy as jnp
from jax.experimental import pallas as pl
from jax.experimental.pallas import tpu as pltpu
from jax.experimental.pallas import tpu_sc as plsc

_IGNORE = 255
_THRESH = 0.7
_K = 131072

_B, _C, _H, _W = 8, 19, 512, 512
_RB = 128
_NR = _H // _RB

_TOP_BITS = 0x3F800000


def _pixel_stats(pred_ref, tgt_ref):
    x = pred_ref[0]
    t = tgt_ref[0]
    m = jnp.max(x, axis=0)
    xs = x - m[None, :, :]
    e = jnp.exp(xs)
    s = jnp.sum(e, axis=0)
    cls = jax.lax.broadcasted_iota(jnp.int32, (_C, _RB, _W), 0)
    onehot = cls == t[None, :, :]
    shift = jnp.sum(jnp.where(onehot, xs, 0.0), axis=0)
    valid = t != _IGNORE
    p = jnp.exp(shift) / s
    p_eff = jnp.where(valid, p, 1.0)
    nl = jnp.log(s) - shift
    snl = jnp.where(valid, nl, -1.0)
    return p_eff, snl, nl


def _main_body(pred_ref, tgt_ref, cnt_ref, sum_ref, cacc, sacc):
    p_eff, _, nl = _pixel_stats(pred_ref, tgt_ref)
    kept = p_eff <= _THRESH
    cpart = jnp.sum(kept.astype(jnp.float32), axis=0)
    spart = jnp.sum(jnp.where(kept, nl, 0.0), axis=0)
    first = (pl.program_id(0) == 0) & (pl.program_id(1) == 0)
    last = ((pl.program_id(0) == _B - 1)
            & (pl.program_id(1) == _NR - 1))

    @pl.when(first)
    def _init():
        cacc[...] = cpart[None, :]
        sacc[...] = spart[None, :]

    @pl.when(jnp.logical_not(first))
    def _acc():
        cacc[...] = cacc[...] + cpart[None, :]
        sacc[...] = sacc[...] + spart[None, :]

    @pl.when(last)
    def _emit():
        cnt_ref[0, 0] = jnp.sum(cacc[...])
        sum_ref[0, 0] = jnp.sum(sacc[...])


def _mat_body(pred_ref, tgt_ref, p_ref, nl_ref):
    p_eff, snl, _ = _pixel_stats(pred_ref, tgt_ref)
    p_ref[0] = p_eff
    nl_ref[0] = snl



_N = _B * _H * _W
_NSUB = 16
_SHARD = _N // _NSUB
_HALF = _SHARD // 2
_NCHUNK = _HALF // 16
_ROUNDS = 31


def _sc_select_body(bits_hbm, out_hbm, shard_v, cnts_v, stage_v, shared_cnts):
    cid = jax.lax.axis_index("c")
    sid = jax.lax.axis_index("s")
    base = sid * _SHARD

    def round_body(_, lohi):
        lo, hi = lohi
        mid = (lo + hi) // 2
        acc = jnp.zeros((16,), jnp.int32)
        for half in range(2):
            pltpu.sync_copy(
                bits_hbm.at[pl.ds(base + half * _HALF, _HALF)], shard_v)

            def chunk_body(j, a):
                v = shard_v[pl.ds(j * 16, 16)]
                return a + jnp.where(v <= mid, 1, 0)

            acc = jax.lax.fori_loop(0, _NCHUNK, chunk_body, acc, unroll=4)
        stage_v[...] = acc
        pltpu.sync_copy(stage_v, shared_cnts.at[sid])
        plsc.subcore_barrier()
        pltpu.sync_copy(shared_cnts, cnts_v)
        plsc.subcore_barrier()
        tot_vec = cnts_v[0]
        for i in range(1, _NSUB):
            tot_vec = tot_vec + cnts_v[i]
        total = tot_vec[0]
        for i in range(1, 16):
            total = total + tot_vec[i]
        take_low = total >= _K
        return (jnp.where(take_low, lo, mid + 1),
                jnp.where(take_low, mid, hi))

    lo, _ = jax.lax.fori_loop(
        0, _ROUNDS, round_body, (jnp.int32(0), jnp.int32(_TOP_BITS)))

    @pl.when((cid == 0) & (sid == 0))
    def _write():
        stage_v[...] = jnp.zeros((16,), jnp.int32) + lo
        pltpu.sync_copy(stage_v, out_hbm)


_sc_select = functools.partial(
    pl.kernel,
    mesh=plsc.VectorSubcoreMesh(core_axis_name="c", subcore_axis_name="s"),
    out_type=jax.ShapeDtypeStruct((16,), jnp.int32),
    scratch_types=[
        pltpu.VMEM((_HALF,), jnp.int32),
        pltpu.VMEM((_NSUB, 16), jnp.int32),
        pltpu.VMEM((16,), jnp.int32),
        pltpu.VMEM_SHARED((_NSUB, 16), jnp.int32),
    ],
)(_sc_select_body)


def _final_body(thr_ref, p_ref, nl_ref, cnt_ref, sum_ref):
    thr = thr_ref[0]
    p = p_ref[0]
    v = nl_ref[0]
    kept = (p <= thr) & (v >= -0.5)
    cpart = jnp.sum(kept.astype(jnp.float32), axis=0)
    spart = jnp.sum(jnp.where(kept, v, 0.0), axis=0)
    first = pl.program_id(0) == 0

    @pl.when(first)
    def _init():
        cnt_ref[...] = cpart[None, :]
        sum_ref[...] = spart[None, :]

    @pl.when(jnp.logical_not(first))
    def _acc():
        cnt_ref[...] = cnt_ref[...] + cpart[None, :]
        sum_ref[...] = sum_ref[...] + spart[None, :]


_main_call = pl.pallas_call(
    _main_body,
    grid=(_B, _NR),
    in_specs=[
        pl.BlockSpec((1, _C, _RB, _W), lambda i, j: (i, 0, j, 0)),
        pl.BlockSpec((1, _RB, _W), lambda i, j: (i, j, 0)),
    ],
    out_specs=[
        pl.BlockSpec(memory_space=pltpu.SMEM),
        pl.BlockSpec(memory_space=pltpu.SMEM),
    ],
    out_shape=[
        jax.ShapeDtypeStruct((1, 1), jnp.float32),
        jax.ShapeDtypeStruct((1, 1), jnp.float32),
    ],
    scratch_shapes=[
        pltpu.VMEM((1, _W), jnp.float32),
        pltpu.VMEM((1, _W), jnp.float32),
    ],
)

_mat_call = pl.pallas_call(
    _mat_body,
    grid=(_B, _NR),
    in_specs=[
        pl.BlockSpec((1, _C, _RB, _W), lambda i, j: (i, 0, j, 0)),
        pl.BlockSpec((1, _RB, _W), lambda i, j: (i, j, 0)),
    ],
    out_specs=[
        pl.BlockSpec((1, _RB, _W), lambda i, j: (i, j, 0)),
        pl.BlockSpec((1, _RB, _W), lambda i, j: (i, j, 0)),
    ],
    out_shape=[
        jax.ShapeDtypeStruct((_B, _H, _W), jnp.float32),
        jax.ShapeDtypeStruct((_B, _H, _W), jnp.float32),
    ],
)

_final_call = pl.pallas_call(
    _final_body,
    grid=(_B,),
    in_specs=[
        pl.BlockSpec(memory_space=pltpu.SMEM),
        pl.BlockSpec((1, _H, _W), lambda i: (i, 0, 0)),
        pl.BlockSpec((1, _H, _W), lambda i: (i, 0, 0)),
    ],
    out_specs=[
        pl.BlockSpec((1, _W), lambda i: (0, 0)),
        pl.BlockSpec((1, _W), lambda i: (0, 0)),
    ],
    out_shape=[
        jax.ShapeDtypeStruct((1, _W), jnp.float32),
        jax.ShapeDtypeStruct((1, _W), jnp.float32),
    ],
)


def kernel(pred, target):
    cl, sl = _main_call(pred, target)
    cnt07 = cl[0, 0]
    sum07 = sl[0, 0]

    def common():
        return sum07 / jnp.maximum(cnt07, 1.0)

    def rare():
        p_eff, snl = _mat_call(pred, target)
        bits = jax.lax.bitcast_convert_type(p_eff, jnp.int32).reshape(_N)
        kth_bits = _sc_select(bits)[0]
        kth = jax.lax.bitcast_convert_type(kth_bits, jnp.float32)
        thr = jnp.maximum(kth, jnp.float32(_THRESH))

        cf, sf = _final_call(thr.reshape(1), p_eff, snl)
        return jnp.sum(sf) / jnp.maximum(jnp.sum(cf), 1.0)

    return jax.lax.cond(cnt07 >= _K, common, rare)

# --- scband reference (transcript-rebuilt; emitter-appended) ---
"""Pipeline reference for scband-ohem-cross-entropy2d-tensor-16475494548070 (READ-ONLY COPY).

The authoritative reference and input builder live on the scoring server;
editing this copy changes nothing except your own understanding.
"""

import jax, jax.numpy as jnp
import numpy as np

IGNORE_LABEL = 255
THRESH = 0.7
MIN_KEPT = 131072


def setup_inputs(seed: int = 0) -> dict:
    key = jax.random.key(seed)
    k1, k2 = jax.random.split(key)
    pred = jax.random.normal(k1, (8, 19, 512, 512), dtype=jnp.float32)
    target = jax.random.randint(k2, (8, 512, 512), 0, 19, dtype=jnp.int32)
    return {"pred": pred, "target": target}


def reference(pred, target):
    b, c, h, w = pred.shape
    t = target.reshape(-1)
    valid_mask = t != IGNORE_LABEL
    t0 = t * valid_mask.astype(t.dtype)
    n = t.shape[0]

    # softmax probs, laid out (c, b*h*w) as in the torch code
    prob = jax.nn.softmax(pred, axis=1)
    prob_flat = jnp.transpose(prob, (1, 0, 2, 3)).reshape(c, -1)
    mask_prob = prob_flat[t0, jnp.arange(n)]
    # masked_fill_(~valid_mask, 1) broadcast across c == post-gather where
    mask_prob = jnp.where(valid_mask, mask_prob, 1.0)

    # OHEM: keep at least min_kept hardest (lowest prob) pixels
    sorted_p = jnp.sort(mask_prob)
    kth = sorted_p[min(n, MIN_KEPT) - 1]
    threshold = jnp.where(kth > THRESH, kth, THRESH)
    kept_mask = mask_prob <= threshold
    final_mask = valid_mask & kept_mask

    # cross entropy with ignore_index, mean reduction over kept pixels
    logp = jax.nn.log_softmax(pred, axis=1)
    logp_flat = jnp.transpose(logp, (1, 0, 2, 3)).reshape(c, -1)
    picked = logp_flat[t0, jnp.arange(n)]
    m = final_mask.astype(jnp.float32)
    denom = jnp.maximum(m.sum(), 1.0)
    loss = -(picked * m).sum() / denom
    return loss


if False:  # reference __main__ guard neutralized (emitter)
    out = reference(**setup_inputs())
    print(out)

if __name__ == "__main__":
    import jax
    _d = setup_inputs()
    print(jax.jit(kernel)(*tuple(_d.values())))

</pallas_src>

<mosaic_0001>
#map = affine_map<(d0, d1) -> (0)>
module attributes {stable_mosaic.version = 14 : i64} {
  func.func @_sc_select_body(%arg0: i32, %arg1: i32, %arg2: memref<2097152xi32, #tpu.memory_space<hbm>>, %arg3: memref<16xi32, #tpu.memory_space<hbm>>, %arg4: memref<65536xi32, #tpu.memory_space<vmem>>, %arg5: memref<16x16xi32, #tpu.memory_space<vmem>>, %arg6: memref<16xi32, #tpu.memory_space<vmem>>, %arg7: memref<16x16xi32, #tpu.memory_space<vmem_shared>>) attributes {dimension_semantics = [#tpu.dimension_semantics<core_parallel>, #tpu.dimension_semantics<subcore_parallel>], iteration_bounds = array<i64: 2, 16>, scalar_prefetch = 0 : i64, scratch_operands = 4 : i64, tpu.core_type = #tpu.core_type<sc_vector_subcore>, window_params = [{transform_indices = #map}, {transform_indices = #map}]} {
    %mul3A = arith.constant 131072 : i32
    %mul3A_0 = arith.muli %arg1, %mul3A : i32
    %scan3A = arith.constant 0 : i32
    %scan3A_1 = arith.constant 1065353216 : i32
    %scan3A_2 = arith.constant 0 : i32
    %scan3A_3 = arith.constant 31 : i32
    %scan3A_4 = arith.addi %scan3A_2, %scan3A_3 : i32
    %scan3A_5 = arith.constant 1 : i32
    %scan3A_6:2 = scf.for %scan3A_12 = %scan3A_2 to %scan3A_4 step %scan3A_5 iter_args(%scan3A_13 = %scan3A, %scan3A_14 = %scan3A_1) -> (i32, i32)  : i32 {
      %add3A = arith.addi %scan3A_13, %scan3A_14 : i32
      %jit3A = arith.constant 2 : i32
      %div3A = arith.divsi %add3A, %jit3A : i32
      %sign3A = arith.constant 0 : i32
      %sign3A_15 = arith.cmpi sgt, %add3A, %sign3A : i32
      %sign3A_16 = arith.extui %sign3A_15 : i1 to i32
      %sign3A_17 = arith.constant 0 : i32
      %sign3A_18 = arith.cmpi slt, %add3A, %sign3A_17 : i32
      %sign3A_19 = arith.extui %sign3A_18 : i1 to i32
      %sign3A_20 = arith.subi %sign3A_16, %sign3A_19 : i32
      %sign3A_21 = arith.constant 0 : i32
      %sign3A_22 = arith.cmpi sgt, %jit3A, %sign3A_21 : i32
      %sign3A_23 = arith.extui %sign3A_22 : i1 to i32
      %sign3A_24 = arith.constant 0 : i32
      %sign3A_25 = arith.cmpi slt, %jit3A, %sign3A_24 : i32
      %sign3A_26 = arith.extui %sign3A_25 : i1 to i32
      %sign3A_27 = arith.subi %sign3A_23, %sign3A_26 : i32
      %ne3A = arith.cmpi ne, %sign3A_20, %sign3A_27 : i32
      %rem3A = arith.remsi %add3A, %jit3A : i32
      %ne3A_28 = arith.constant 0 : i32
      %ne3A_29 = arith.cmpi ne, %rem3A, %ne3A_28 : i32
      %and3A_30 = arith.andi %ne3A, %ne3A_29 : i1
      %sub3A = arith.constant 1 : i32
      %sub3A_31 = arith.subi %div3A, %sub3A : i32
      %select_n3A = arith.select %and3A_30, %sub3A_31, %div3A : i32
      %broadcast_in_dim3A = arith.constant 0 : i32
      %broadcast_in_dim3A_32 = vector.broadcast %broadcast_in_dim3A : i32 to vector<16xi32>
      %add3A_33 = arith.constant 0 : i32
      %add3A_34 = arith.addi %mul3A_0, %add3A_33 : i32
      "tpu.region"() ({
        %run_scoped3A = tpu.sem_alloc : memref<!tpu.dma_semaphore, #tpu.memory_space<semaphore_mem>>
        %dma_start3A = tpu.memref_slice %arg2[%add3A_34] : memref<2097152xi32, #tpu.memory_space<hbm>> -> memref<65536xi32, #tpu.memory_space<hbm>>
        %dma_start3A_197 = tpu.memref_slice %arg2[%add3A_34] : memref<2097152xi32, #tpu.memory_space<hbm>> -> memref<65536xi32, #tpu.memory_space<hbm>>
        tpu.enqueue_dma source(%dma_start3A_197 : memref<65536xi32, #tpu.memory_space<hbm>>) target(%arg4 : memref<65536xi32, #tpu.memory_space<vmem>>) target_semaphore(%run_scoped3A : memref<!tpu.dma_semaphore, #tpu.memory_space<semaphore_mem>>)
        %dma_wait3A = tpu.memref_slice %arg2[%add3A_34] : memref<2097152xi32, #tpu.memory_space<hbm>> -> memref<65536xi32, #tpu.memory_space<hbm>>
        %dma_wait3A_198 = tpu.memref_slice %arg2[%add3A_34] : memref<2097152xi32, #tpu.memory_space<hbm>> -> memref<65536xi32, #tpu.memory_space<hbm>>
        tpu.wait_dma2 semaphore(%run_scoped3A : memref<!tpu.dma_semaphore, #tpu.memory_space<semaphore_mem>>) src(%dma_wait3A_198 : memref<65536xi32, #tpu.memory_space<hbm>>) dst(%arg4 : memref<65536xi32, #tpu.memory_space<vmem>>)
        tpu.yield
      }) : () -> ()
      %scan3A_35 = arith.constant 0 : i32
      %scan3A_36 = arith.constant 4096 : i32
      %scan3A_37 = arith.addi %scan3A_35, %scan3A_36 : i32
      %scan3A_38 = arith.constant 4 : i32
      %scan3A_39 = scf.for %scan3A_197 = %scan3A_35 to %scan3A_37 step %scan3A_38 iter_args(%scan3A_198 = %broadcast_in_dim3A_32) -> (vector<16xi32>)  : i32 {
        %mul3A_199 = arith.constant 16 : i32
        %mul3A_200 = arith.muli %scan3A_197, %mul3A_199 : i32
        %get3A_201 = arith.index_cast %mul3A_200 : i32 to index
        %get3A_202 = tpu.vector_load %arg4[%get3A_201] {strides = array<i32>} : memref<65536xi32, #tpu.memory_space<vmem>>, vector<16xi32>,
        %get3A_203 = vector.shape_cast %get3A_202 : vector<16xi32> to vector<16xi32>
        %le3A = vector.broadcast %select_n3A : i32 to vector<16xi32>
        %le3A_204 = arith.cmpi sle, %get3A_203, %le3A : vector<16xi32>
        %jit3A_205 = arith.constant 1 : i32
        %jit3A_206 = arith.constant 0 : i32
        %broadcast_in_dim3A_207 = vector.broadcast %jit3A_205 : i32 to vector<16xi32>
        %broadcast_in_dim3A_208 = vector.broadcast %jit3A_206 : i32 to vector<16xi32>
        %select_n3A_209 = arith.select %le3A_204, %broadcast_in_dim3A_207, %broadcast_in_dim3A_208 : vector<16xi1>, vector<16xi32>
        %add3A_210 = arith.addi %scan3A_198, %select_n3A_209 : vector<16xi32>
        %scan3A_211 = arith.constant 1 : i32
        %scan3A_212 = arith.addi %scan3A_197, %scan3A_211 : i32
        %mul3A_213 = arith.constant 16 : i32
        %mul3A_214 = arith.muli %scan3A_212, %mul3A_213 : i32
        %get3A_215 = arith.index_cast %mul3A_214 : i32 to index
        %get3A_216 = tpu.vector_load %arg4[%get3A_215] {strides = array<i32>} : memref<65536xi32, #tpu.memory_space<vmem>>, vector<16xi32>,
        %get3A_217 = vector.shape_cast %get3A_216 : vector<16xi32> to vector<16xi32>
        %le3A_218 = vector.broadcast %select_n3A : i32 to vector<16xi32>
        %le3A_219 = arith.cmpi sle, %get3A_217, %le3A_218 : vector<16xi32>
        %jit3A_220 = arith.constant 1 : i32
        %jit3A_221 = arith.constant 0 : i32
        %broadcast_in_dim3A_222 = vector.broadcast %jit3A_220 : i32 to vector<16xi32>
        %broadcast_in_dim3A_223 = vector.broadcast %jit3A_221 : i32 to vector<16xi32>
        %select_n3A_224 = arith.select %le3A_219, %broadcast_in_dim3A_222, %broadcast_in_dim3A_223 : vector<16xi1>, vector<16xi32>
        %add3A_225 = arith.addi %add3A_210, %select_n3A_224 : vector<16xi32>
        %scan3A_226 = arith.constant 2 : i32
        %scan3A_227 = arith.addi %scan3A_197, %scan3A_226 : i32
        %mul3A_228 = arith.constant 16 : i32
        %mul3A_229 = arith.muli %scan3A_227, %mul3A_228 : i32
        %get3A_230 = arith.index_cast %mul3A_229 : i32 to index
        %get3A_231 = tpu.vector_load %arg4[%get3A_230] {strides = array<i32>} : memref<65536xi32, #tpu.memory_space<vmem>>, vector<16xi32>,
        %get3A_232 = vector.shape_cast %get3A_231 : vector<16xi32> to vector<16xi32>
        %le3A_233 = vector.broadcast %select_n3A : i32 to vector<16xi32>
        %le3A_234 = arith.cmpi sle, %get3A_232, %le3A_233 : vector<16xi32>
        %jit3A_235 = arith.constant 1 : i32
        %jit3A_236 = arith.constant 0 : i32
        %broadcast_in_dim3A_237 = vector.broadcast %jit3A_235 : i32 to vector<16xi32>
        %broadcast_in_dim3A_238 = vector.broadcast %jit3A_236 : i32 to vector<16xi32>
        %select_n3A_239 = arith.select %le3A_234, %broadcast_in_dim3A_237, %broadcast_in_dim3A_238 : vector<16xi1>, vector<16xi32>
        %add3A_240 = arith.addi %add3A_225, %select_n3A_239 : vector<16xi32>
        %scan3A_241 = arith.constant 3 : i32
        %scan3A_242 = arith.addi %scan3A_197, %scan3A_241 : i32
        %mul3A_243 = arith.constant 16 : i32
        %mul3A_244 = arith.muli %scan3A_242, %mul3A_243 : i32
        %get3A_245 = arith.index_cast %mul3A_244 : i32 to index
        %get3A_246 = tpu.vector_load %arg4[%get3A_245] {strides = array<i32>} : memref<65536xi32, #tpu.memory_space<vmem>>, vector<16xi32>,
        %get3A_247 = vector.shape_cast %get3A_246 : vector<16xi32> to vector<16xi32>
        %le3A_248 = vector.broadcast %select_n3A : i32 to vector<16xi32>
        %le3A_249 = arith.cmpi sle, %get3A_247, %le3A_248 : vector<16xi32>
        %jit3A_250 = arith.constant 1 : i32
        %jit3A_251 = arith.constant 0 : i32
        %broadcast_in_dim3A_252 = vector.broadcast %jit3A_250 : i32 to vector<16xi32>
        %broadcast_in_dim3A_253 = vector.broadcast %jit3A_251 : i32 to vector<16xi32>
        %select_n3A_254 = arith.select %le3A_249, %broadcast_in_dim3A_252, %broadcast_in_dim3A_253 : vector<16xi1>, vector<16xi32>
        %add3A_255 = arith.addi %add3A_240, %select_n3A_254 : vector<16xi32>
        scf.yield %add3A_255 : vector<16xi32>
      }
      %scan3A_40 = arith.constant 4096 : i32
      %add3A_41 = arith.constant 65536 : i32
      %add3A_42 = arith.addi %mul3A_0, %add3A_41 : i32
      "tpu.region"() ({
        %run_scoped3A = tpu.sem_alloc : memref<!tpu.dma_semaphore, #tpu.memory_space<semaphore_mem>>
        %dma_start3A = tpu.memref_slice %arg2[%add3A_42] : memref<2097152xi32, #tpu.memory_space<hbm>> -> memref<65536xi32, #tpu.memory_space<hbm>>
        %dma_start3A_197 = tpu.memref_slice %arg2[%add3A_42] : memref<2097152xi32, #tpu.memory_space<hbm>> -> memref<65536xi32, #tpu.memory_space<hbm>>
        tpu.enqueue_dma source(%dma_start3A_197 : memref<65536xi32, #tpu.memory_space<hbm>>) target(%arg4 : memref<65536xi32, #tpu.memory_space<vmem>>) target_semaphore(%run_scoped3A : memref<!tpu.dma_semaphore, #tpu.memory_space<semaphore_mem>>)
        %dma_wait3A = tpu.memref_slice %arg2[%add3A_42] : memref<2097152xi32, #tpu.memory_space<hbm>> -> memref<65536xi32, #tpu.memory_space<hbm>>
        %dma_wait3A_198 = tpu.memref_slice %arg2[%add3A_42] : memref<2097152xi32, #tpu.memory_space<hbm>> -> memref<65536xi32, #tpu.memory_space<hbm>>
        tpu.wait_dma2 semaphore(%run_scoped3A : memref<!tpu.dma_semaphore, #tpu.memory_space<semaphore_mem>>) src(%dma_wait3A_198 : memref<65536xi32, #tpu.memory_space<hbm>>) dst(%arg4 : memref<65536xi32, #tpu.memory_space<vmem>>)
        tpu.yield
      }) : () -> ()
      %scan3A_43 = arith.constant 0 : i32
      %scan3A_44 = arith.constant 4096 : i32
      %scan3A_45 = arith.addi %scan3A_43, %scan3A_44 : i32
      %scan3A_46 = arith.constant 4 : i32
      %scan3A_47 = scf.for %scan3A_197 = %scan3A_43 to %scan3A_45 step %scan3A_46 iter_args(%scan3A_198 = %scan3A_39) -> (vector<16xi32>)  : i32 {
        %mul3A_199 = arith.constant 16 : i32
        %mul3A_200 = arith.muli %scan3A_197, %mul3A_199 : i32
        %get3A_201 = arith.index_cast %mul3A_200 : i32 to index
        %get3A_202 = tpu.vector_load %arg4[%get3A_201] {strides = array<i32>} : memref<65536xi32, #tpu.memory_space<vmem>>, vector<16xi32>,
        %get3A_203 = vector.shape_cast %get3A_202 : vector<16xi32> to vector<16xi32>
        %le3A = vector.broadcast %select_n3A : i32 to vector<16xi32>
        %le3A_204 = arith.cmpi sle, %get3A_203, %le3A : vector<16xi32>
        %jit3A_205 = arith.constant 1 : i32
        %jit3A_206 = arith.constant 0 : i32
        %broadcast_in_dim3A_207 = vector.broadcast %jit3A_205 : i32 to vector<16xi32>
        %broadcast_in_dim3A_208 = vector.broadcast %jit3A_206 : i32 to vector<16xi32>
        %select_n3A_209 = arith.select %le3A_204, %broadcast_in_dim3A_207, %broadcast_in_dim3A_208 : vector<16xi1>, vector<16xi32>
        %add3A_210 = arith.addi %scan3A_198, %select_n3A_209 : vector<16xi32>
        %scan3A_211 = arith.constant 1 : i32
        %scan3A_212 = arith.addi %scan3A_197, %scan3A_211 : i32
        %mul3A_213 = arith.constant 16 : i32
        %mul3A_214 = arith.muli %scan3A_212, %mul3A_213 : i32
        %get3A_215 = arith.index_cast %mul3A_214 : i32 to index
        %get3A_216 = tpu.vector_load %arg4[%get3A_215] {strides = array<i32>} : memref<65536xi32, #tpu.memory_space<vmem>>, vector<16xi32>,
        %get3A_217 = vector.shape_cast %get3A_216 : vector<16xi32> to vector<16xi32>
        %le3A_218 = vector.broadcast %select_n3A : i32 to vector<16xi32>
        %le3A_219 = arith.cmpi sle, %get3A_217, %le3A_218 : vector<16xi32>
        %jit3A_220 = arith.constant 1 : i32
        %jit3A_221 = arith.constant 0 : i32
        %broadcast_in_dim3A_222 = vector.broadcast %jit3A_220 : i32 to vector<16xi32>
        %broadcast_in_dim3A_223 = vector.broadcast %jit3A_221 : i32 to vector<16xi32>
        %select_n3A_224 = arith.select %le3A_219, %broadcast_in_dim3A_222, %broadcast_in_dim3A_223 : vector<16xi1>, vector<16xi32>
        %add3A_225 = arith.addi %add3A_210, %select_n3A_224 : vector<16xi32>
        %scan3A_226 = arith.constant 2 : i32
        %scan3A_227 = arith.addi %scan3A_197, %scan3A_226 : i32
        %mul3A_228 = arith.constant 16 : i32
        %mul3A_229 = arith.muli %scan3A_227, %mul3A_228 : i32
        %get3A_230 = arith.index_cast %mul3A_229 : i32 to index
        %get3A_231 = tpu.vector_load %arg4[%get3A_230] {strides = array<i32>} : memref<65536xi32, #tpu.memory_space<vmem>>, vector<16xi32>,
        %get3A_232 = vector.shape_cast %get3A_231 : vector<16xi32> to vector<16xi32>
        %le3A_233 = vector.broadcast %select_n3A : i32 to vector<16xi32>
        %le3A_234 = arith.cmpi sle, %get3A_232, %le3A_233 : vector<16xi32>
        %jit3A_235 = arith.constant 1 : i32
        %jit3A_236 = arith.constant 0 : i32
        %broadcast_in_dim3A_237 = vector.broadcast %jit3A_235 : i32 to vector<16xi32>
        %broadcast_in_dim3A_238 = vector.broadcast %jit3A_236 : i32 to vector<16xi32>
        %select_n3A_239 = arith.select %le3A_234, %broadcast_in_dim3A_237, %broadcast_in_dim3A_238 : vector<16xi1>, vector<16xi32>
        %add3A_240 = arith.addi %add3A_225, %select_n3A_239 : vector<16xi32>
        %scan3A_241 = arith.constant 3 : i32
        %scan3A_242 = arith.addi %scan3A_197, %scan3A_241 : i32
        %mul3A_243 = arith.constant 16 : i32
        %mul3A_244 = arith.muli %scan3A_242, %mul3A_243 : i32
        %get3A_245 = arith.index_cast %mul3A_244 : i32 to index
        %get3A_246 = tpu.vector_load %arg4[%get3A_245] {strides = array<i32>} : memref<65536xi32, #tpu.memory_space<vmem>>, vector<16xi32>,
        %get3A_247 = vector.shape_cast %get3A_246 : vector<16xi32> to vector<16xi32>
        %le3A_248 = vector.broadcast %select_n3A : i32 to vector<16xi32>
        %le3A_249 = arith.cmpi sle, %get3A_247, %le3A_248 : vector<16xi32>
        %jit3A_250 = arith.constant 1 : i32
        %jit3A_251 = arith.constant 0 : i32
        %broadcast_in_dim3A_252 = vector.broadcast %jit3A_250 : i32 to vector<16xi32>
        %broadcast_in_dim3A_253 = vector.broadcast %jit3A_251 : i32 to vector<16xi32>
        %select_n3A_254 = arith.select %le3A_249, %broadcast_in_dim3A_252, %broadcast_in_dim3A_253 : vector<16xi1>, vector<16xi32>
        %add3A_255 = arith.addi %add3A_240, %select_n3A_254 : vector<16xi32>
        scf.yield %add3A_255 : vector<16xi32>
      }
      %scan3A_48 = arith.constant 4096 : i32
      %swap3A = arith.constant 0 : index
      %swap3A_49 = tpu.vector_load %arg6[%swap3A] {strides = array<i32>} : memref<16xi32, #tpu.memory_space<vmem>>, vector<16xi32>,
      %swap3A_50 = vector.shape_cast %swap3A_49 : vector<16xi32> to vector<16xi32>
      %swap3A_51 = vector.shape_cast %scan3A_47 : vector<16xi32> to vector<16xi32>
      tpu.vector_store %arg6[%swap3A], %swap3A_51 {strides = array<i32>} : memref<16xi32, #tpu.memory_space<vmem>>, vector<16xi32>,
      "tpu.region"() ({
        %run_scoped3A = tpu.sem_alloc : memref<!tpu.dma_semaphore, #tpu.memory_space<semaphore_mem>>
        %dma_start3A = arith.constant 0 : i32
        %dma_start3A_197 = tpu.memref_slice %arg7[%arg1, %dma_start3A] : memref<16x16xi32, #tpu.memory_space<vmem_shared>> -> memref<1x16xi32, #tpu.memory_space<vmem_shared>>
        %dma_start3A_198 = tpu.memref_squeeze %dma_start3A_197 : memref<1x16xi32, #tpu.memory_space<vmem_shared>> -> memref<16xi32, #tpu.memory_space<vmem_shared>>
        %dma_start3A_199 = arith.constant 0 : i32
        %dma_start3A_200 = tpu.memref_slice %arg7[%arg1, %dma_start3A_199] : memref<16x16xi32, #tpu.memory_space<vmem_shared>> -> memref<1x16xi32, #tpu.memory_space<vmem_shared>>
        %dma_start3A_201 = tpu.memref_squeeze %dma_start3A_200 : memref<1x16xi32, #tpu.memory_space<vmem_shared>> -> memref<16xi32, #tpu.memory_space<vmem_shared>>
        tpu.enqueue_dma source(%arg6 : memref<16xi32, #tpu.memory_space<vmem>>) target(%dma_start3A_201 : memref<16xi32, #tpu.memory_space<vmem_shared>>) target_semaphore(%run_scoped3A : memref<!tpu.dma_semaphore, #tpu.memory_space<semaphore_mem>>)
        %dma_wait3A = arith.constant 0 : i32
        %dma_wait3A_202 = tpu.memref_slice %arg7[%arg1, %dma_wait3A] : memref<16x16xi32, #tpu.memory_space<vmem_shared>> -> memref<1x16xi32, #tpu.memory_space<vmem_shared>>
        %dma_wait3A_203 = tpu.memref_squeeze %dma_wait3A_202 : memref<1x16xi32, #tpu.memory_space<vmem_shared>> -> memref<16xi32, #tpu.memory_space<vmem_shared>>
        %dma_wait3A_204 = arith.constant 0 : i32
        %dma_wait3A_205 = tpu.memref_slice %arg7[%arg1, %dma_wait3A_204] : memref<16x16xi32, #tpu.memory_space<vmem_shared>> -> memref<1x16xi32, #tpu.memory_space<vmem_shared>>
        %dma_wait3A_206 = tpu.memref_squeeze %dma_wait3A_205 : memref<1x16xi32, #tpu.memory_space<vmem_shared>> -> memref<16xi32, #tpu.memory_space<vmem_shared>>
        tpu.wait_dma2 semaphore(%run_scoped3A : memref<!tpu.dma_semaphore, #tpu.memory_space<semaphore_mem>>) src(%arg6 : memref<16xi32, #tpu.memory_space<vmem>>) dst(%dma_wait3A_206 : memref<16xi32, #tpu.memory_space<vmem_shared>>)
        tpu.yield
      }) : () -> ()
      %barrier3A = arith.constant 0 : index
      tpu.barrier barrier_id(%barrier3A)
      "tpu.region"() ({
        %run_scoped3A = tpu.sem_alloc : memref<!tpu.dma_semaphore, #tpu.memory_space<semaphore_mem>>
        tpu.enqueue_dma source(%arg7 : memref<16x16xi32, #tpu.memory_space<vmem_shared>>) target(%arg5 : memref<16x16xi32, #tpu.memory_space<vmem>>) target_semaphore(%run_scoped3A : memref<!tpu.dma_semaphore, #tpu.memory_space<semaphore_mem>>)
        tpu.wait_dma2 semaphore(%run_scoped3A : memref<!tpu.dma_semaphore, #tpu.memory_space<semaphore_mem>>) src(%arg7 : memref<16x16xi32, #tpu.memory_space<vmem_shared>>) dst(%arg5 : memref<16x16xi32, #tpu.memory_space<vmem>>)
        tpu.yield
      }) : () -> ()
      %barrier3A_52 = arith.constant 0 : index
      tpu.barrier barrier_id(%barrier3A_52)
      %get3A = arith.constant 0 : i32
      %get3A_53 = arith.index_cast %get3A : i32 to index
      %get3A_54 = arith.constant 0 : index
      %get3A_55 = tpu.vector_load %arg5[%get3A_53, %get3A_54] {strides = array<i32>} : memref<16x16xi32, #tpu.memory_space<vmem>>, vector<1x16xi32>,
      %get3A_56 = vector.shape_cast %get3A_55 : vector<1x16xi32> to vector<16xi32>
      %get3A_57 = arith.constant 1 : i32
      %get3A_58 = arith.index_cast %get3A_57 : i32 to index
      %get3A_59 = arith.constant 0 : index
      %get3A_60 = tpu.vector_load %arg5[%get3A_58, %get3A_59] {strides = array<i32>} : memref<16x16xi32, #tpu.memory_space<vmem>>, vector<1x16xi32>,
      %get3A_61 = vector.shape_cast %get3A_60 : vector<1x16xi32> to vector<16xi32>
      %add3A_62 = arith.addi %get3A_56, %get3A_61 : vector<16xi32>
      %get3A_63 = arith.constant 2 : i32
      %get3A_64 = arith.index_cast %get3A_63 : i32 to index
      %get3A_65 = arith.constant 0 : index
      %get3A_66 = tpu.vector_load %arg5[%get3A_64, %get3A_65] {strides = array<i32>} : memref<16x16xi32, #tpu.memory_space<vmem>>, vector<1x16xi32>,
      %get3A_67 = vector.shape_cast %get3A_66 : vector<1x16xi32> to vector<16xi32>
      %add3A_68 = arith.addi %add3A_62, %get3A_67 : vector<16xi32>
      %get3A_69 = arith.constant 3 : i32
      %get3A_70 = arith.index_cast %get3A_69 : i32 to index
      %get3A_71 = arith.constant 0 : index
      %get3A_72 = tpu.vector_load %arg5[%get3A_70, %get3A_71] {strides = array<i32>} : memref<16x16xi32, #tpu.memory_space<vmem>>, vector<1x16xi32>,
      %get3A_73 = vector.shape_cast %get3A_72 : vector<1x16xi32> to vector<16xi32>
      %add3A_74 = arith.addi %add3A_68, %get3A_73 : vector<16xi32>
      %get3A_75 = arith.constant 4 : i32
      %get3A_76 = arith.index_cast %get3A_75 : i32 to index
      %get3A_77 = arith.constant 0 : index
      %get3A_78 = tpu.vector_load %arg5[%get3A_76, %get3A_77] {strides = array<i32>} : memref<16x16xi32, #tpu.memory_space<vmem>>, vector<1x16xi32>,
      %get3A_79 = vector.shape_cast %get3A_78 : vector<1x16xi32> to vector<16xi32>
      %add3A_80 = arith.addi %add3A_74, %get3A_79 : vector<16xi32>
      %get3A_81 = arith.constant 5 : i32
      %get3A_82 = arith.index_cast %get3A_81 : i32 to index
      %get3A_83 = arith.constant 0 : index
      %get3A_84 = tpu.vector_load %arg5[%get3A_82, %get3A_83] {strides = array<i32>} : memref<16x16xi32, #tpu.memory_space<vmem>>, vector<1x16xi32>,
      %get3A_85 = vector.shape_cast %get3A_84 : vector<1x16xi32> to vector<16xi32>
      %add3A_86 = arith.addi %add3A_80, %get3A_85 : vector<16xi32>
      %get3A_87 = arith.constant 6 : i32
      %get3A_88 = arith.index_cast %get3A_87 : i32 to index
      %get3A_89 = arith.constant 0 : index
      %get3A_90 = tpu.vector_load %arg5[%get3A_88, %get3A_89] {strides = array<i32>} : memref<16x16xi32, #tpu.memory_space<vmem>>, vector<1x16xi32>,
      %get3A_91 = vector.shape_cast %get3A_90 : vector<1x16xi32> to vector<16xi32>
      %add3A_92 = arith.addi %add3A_86, %get3A_91 : vector<16xi32>
      %get3A_93 = arith.constant 7 : i32
      %get3A_94 = arith.index_cast %get3A_93 : i32 to index
      %get3A_95 = arith.constant 0 : index
      %get3A_96 = tpu.vector_load %arg5[%get3A_94, %get3A_95] {strides = array<i32>} : memref<16x16xi32, #tpu.memory_space<vmem>>, vector<1x16xi32>,
      %get3A_97 = vector.shape_cast %get3A_96 : vector<1x16xi32> to vector<16xi32>
      %add3A_98 = arith.addi %add3A_92, %get3A_97 : vector<16xi32>
      %get3A_99 = arith.constant 8 : i32
      %get3A_100 = arith.index_cast %get3A_99 : i32 to index
      %get3A_101 = arith.constant 0 : index
      %get3A_102 = tpu.vector_load %arg5[%get3A_100, %get3A_101] {strides = array<i32>} : memref<16x16xi32, #tpu.memory_space<vmem>>, vector<1x16xi32>,
      %get3A_103 = vector.shape_cast %get3A_102 : vector<1x16xi32> to vector<16xi32>
      %add3A_104 = arith.addi %add3A_98, %get3A_103 : vector<16xi32>
      %get3A_105 = arith.constant 9 : i32
      %get3A_106 = arith.index_cast %get3A_105 : i32 to index
      %get3A_107 = arith.constant 0 : index
      %get3A_108 = tpu.vector_load %arg5[%get3A_106, %get3A_107] {strides = array<i32>} : memref<16x16xi32, #tpu.memory_space<vmem>>, vector<1x16xi32>,
      %get3A_109 = vector.shape_cast %get3A_108 : vector<1x16xi32> to vector<16xi32>
      %add3A_110 = arith.addi %add3A_104, %get3A_109 : vector<16xi32>
      %get3A_111 = arith.constant 10 : i32
      %get3A_112 = arith.index_cast %get3A_111 : i32 to index
      %get3A_113 = arith.constant 0 : index
      %get3A_114 = tpu.vector_load %arg5[%get3A_112, %get3A_113] {strides = array<i32>} : memref<16x16xi32, #tpu.memory_space<vmem>>, vector<1x16xi32>,
      %get3A_115 = vector.shape_cast %get3A_114 : vector<1x16xi32> to vector<16xi32>
      %add3A_116 = arith.addi %add3A_110, %get3A_115 : vector<16xi32>
      %get3A_117 = arith.constant 11 : i32
      %get3A_118 = arith.index_cast %get3A_117 : i32 to index
      %get3A_119 = arith.constant 0 : index
      %get3A_120 = tpu.vector_load %arg5[%get3A_118, %get3A_119] {strides = array<i32>} : memref<16x16xi32, #tpu.memory_space<vmem>>, vector<1x16xi32>,
      %get3A_121 = vector.shape_cast %get3A_120 : vector<1x16xi32> to vector<16xi32>
      %add3A_122 = arith.addi %add3A_116, %get3A_121 : vector<16xi32>
      %get3A_123 = arith.constant 12 : i32
      %get3A_124 = arith.index_cast %get3A_123 : i32 to index
      %get3A_125 = arith.constant 0 : index
      %get3A_126 = tpu.vector_load %arg5[%get3A_124, %get3A_125] {strides = array<i32>} : memref<16x16xi32, #tpu.memory_space<vmem>>, vector<1x16xi32>,
      %get3A_127 = vector.shape_cast %get3A_126 : vector<1x16xi32> to vector<16xi32>
      %add3A_128 = arith.addi %add3A_122, %get3A_127 : vector<16xi32>
      %get3A_129 = arith.constant 13 : i32
      %get3A_130 = arith.index_cast %get3A_129 : i32 to index
      %get3A_131 = arith.constant 0 : index
      %get3A_132 = tpu.vector_load %arg5[%get3A_130, %get3A_131] {strides = array<i32>} : memref<16x16xi32, #tpu.memory_space<vmem>>, vector<1x16xi32>,
      %get3A_133 = vector.shape_cast %get3A_132 : vector<1x16xi32> to vector<16xi32>
      %add3A_134 = arith.addi %add3A_128, %get3A_133 : vector<16xi32>
      %get3A_135 = arith.constant 14 : i32
      %get3A_136 = arith.index_cast %get3A_135 : i32 to index
      %get3A_137 = arith.constant 0 : index
      %get3A_138 = tpu.vector_load %arg5[%get3A_136, %get3A_137] {strides = array<i32>} : memref<16x16xi32, #tpu.memory_space<vmem>>, vector<1x16xi32>,
      %get3A_139 = vector.shape_cast %get3A_138 : vector<1x16xi32> to vector<16xi32>
      %add3A_140 = arith.addi %add3A_134, %get3A_139 : vector<16xi32>
      %get3A_141 = arith.constant 15 : i32
      %get3A_142 = arith.index_cast %get3A_141 : i32 to index
      %get3A_143 = arith.constant 0 : index
      %get3A_144 = tpu.vector_load %arg5[%get3A_142, %get3A_143] {strides = array<i32>} : memref<16x16xi32, #tpu.memory_space<vmem>>, vector<1x16xi32>,
      %get3A_145 = vector.shape_cast %get3A_144 : vector<1x16xi32> to vector<16xi32>
      %add3A_146 = arith.addi %add3A_140, %get3A_145 : vector<16xi32>
      %slice3A = vector.extract_strided_slice %add3A_146 {offsets = [0], sizes = [1], strides = [1]} : vector<16xi32> to vector<1xi32>
      %squeeze3A = vector.extract %slice3A[0] : i32 from vector<1xi32>
      %slice3A_147 = vector.extract_strided_slice %add3A_146 {offsets = [1], sizes = [1], strides = [1]} : vector<16xi32> to vector<1xi32>
      %squeeze3A_148 = vector.extract %slice3A_147[0] : i32 from vector<1xi32>
      %add3A_149 = arith.addi %squeeze3A, %squeeze3A_148 : i32
      %slice3A_150 = vector.extract_strided_slice %add3A_146 {offsets = [2], sizes = [1], strides = [1]} : vector<16xi32> to vector<1xi32>
      %squeeze3A_151 = vector.extract %slice3A_150[0] : i32 from vector<1xi32>
      %add3A_152 = arith.addi %add3A_149, %squeeze3A_151 : i32
      %slice3A_153 = vector.extract_strided_slice %add3A_146 {offsets = [3], sizes = [1], strides = [1]} : vector<16xi32> to vector<1xi32>
      %squeeze3A_154 = vector.extract %slice3A_153[0] : i32 from vector<1xi32>
      %add3A_155 = arith.addi %add3A_152, %squeeze3A_154 : i32
      %slice3A_156 = vector.extract_strided_slice %add3A_146 {offsets = [4], sizes = [1], strides = [1]} : vector<16xi32> to vector<1xi32>
      %squeeze3A_157 = vector.extract %slice3A_156[0] : i32 from vector<1xi32>
      %add3A_158 = arith.addi %add3A_155, %squeeze3A_157 : i32
      %slice3A_159 = vector.extract_strided_slice %add3A_146 {offsets = [5], sizes = [1], strides = [1]} : vector<16xi32> to vector<1xi32>
      %squeeze3A_160 = vector.extract %slice3A_159[0] : i32 from vector<1xi32>
      %add3A_161 = arith.addi %add3A_158, %squeeze3A_160 : i32
      %slice3A_162 = vector.extract_strided_slice %add3A_146 {offsets = [6], sizes = [1], strides = [1]} : vector<16xi32> to vector<1xi32>
      %squeeze3A_163 = vector.extract %slice3A_162[0] : i32 from vector<1xi32>
      %add3A_164 = arith.addi %add3A_161, %squeeze3A_163 : i32
      %slice3A_165 = vector.extract_strided_slice %add3A_146 {offsets = [7], sizes = [1], strides = [1]} : vector<16xi32> to vector<1xi32>
      %squeeze3A_166 = vector.extract %slice3A_165[0] : i32 from vector<1xi32>
      %add3A_167 = arith.addi %add3A_164, %squeeze3A_166 : i32
      %slice3A_168 = vector.extract_strided_slice %add3A_146 {offsets = [8], sizes = [1], strides = [1]} : vector<16xi32> to vector<1xi32>
      %squeeze3A_169 = vector.extract %slice3A_168[0] : i32 from vector<1xi32>
      %add3A_170 = arith.addi %add3A_167, %squeeze3A_169 : i32
      %slice3A_171 = vector.extract_strided_slice %add3A_146 {offsets = [9], sizes = [1], strides = [1]} : vector<16xi32> to vector<1xi32>
      %squeeze3A_172 = vector.extract %slice3A_171[0] : i32 from vector<1xi32>
      %add3A_173 = arith.addi %add3A_170, %squeeze3A_172 : i32
      %slice3A_174 = vector.extract_strided_slice %add3A_146 {offsets = [10], sizes = [1], strides = [1]} : vector<16xi32> to vector<1xi32>
      %squeeze3A_175 = vector.extract %slice3A_174[0] : i32 from vector<1xi32>
      %add3A_176 = arith.addi %add3A_173, %squeeze3A_175 : i32
      %slice3A_177 = vector.extract_strided_slice %add3A_146 {offsets = [11], sizes = [1], strides = [1]} : vector<16xi32> to vector<1xi32>
      %squeeze3A_178 = vector.extract %slice3A_177[0] : i32 from vector<1xi32>
      %add3A_179 = arith.addi %add3A_176, %squeeze3A_178 : i32
      %slice3A_180 = vector.extract_strided_slice %add3A_146 {offsets = [12], sizes = [1], strides = [1]} : vector<16xi32> to vector<1xi32>
      %squeeze3A_181 = vector.extract %slice3A_180[0] : i32 from vector<1xi32>
      %add3A_182 = arith.addi %add3A_179, %squeeze3A_181 : i32
      %slice3A_183 = vector.extract_strided_slice %add3A_146 {offsets = [13], sizes = [1], strides = [1]} : vector<16xi32> to vector<1xi32>
      %squeeze3A_184 = vector.extract %slice3A_183[0] : i32 from vector<1xi32>
      %add3A_185 = arith.addi %add3A_182, %squeeze3A_184 : i32
      %slice3A_186 = vector.extract_strided_slice %add3A_146 {offsets = [14], sizes = [1], strides = [1]} : vector<16xi32> to vector<1xi32>
      %squeeze3A_187 = vector.extract %slice3A_186[0] : i32 from vector<1xi32>
      %add3A_188 = arith.addi %add3A_185, %squeeze3A_187 : i32
      %slice3A_189 = vector.extract_strided_slice %add3A_146 {offsets = [15], sizes = [1], strides = [1]} : vector<16xi32> to vector<1xi32>
      %squeeze3A_190 = vector.extract %slice3A_189[0] : i32 from vector<1xi32>
      %add3A_191 = arith.addi %add3A_188, %squeeze3A_190 : i32
      %ge3A = arith.constant 131072 : i32
      %ge3A_192 = arith.cmpi sge, %add3A_191, %ge3A : i32
      %add3A_193 = arith.constant 1 : i32
      %add3A_194 = arith.addi %select_n3A, %add3A_193 : i32
      %select_n3A_195 = arith.select %ge3A_192, %scan3A_13, %add3A_194 : i32
      %select_n3A_196 = arith.select %ge3A_192, %select_n3A, %scan3A_14 : i32
      scf.yield %select_n3A_195, %select_n3A_196 : i32, i32
    }
    %scan3A_7 = arith.constant 31 : i32
    %eq3A = arith.constant 0 : i32
    %eq3A_8 = arith.cmpi eq, %arg0, %eq3A : i32
    %eq3A_9 = arith.constant 0 : i32
    %eq3A_10 = arith.cmpi eq, %arg1, %eq3A_9 : i32
    %and3A = arith.andi %eq3A_8, %eq3A_10 : i1
    %convert_element_type3A = arith.extui %and3A : i1 to i32
    %cond3A = arith.constant 0 : i32
    %cond3A_11 = arith.cmpi ne, %convert_element_type3A, %cond3A : i32
    scf.if %cond3A_11 {
      %broadcast_in_dim3A = arith.constant 0 : i32
      %broadcast_in_dim3A_12 = vector.broadcast %broadcast_in_dim3A : i32 to vector<16xi32>
      %add3A = vector.broadcast %scan3A_6#0 : i32 to vector<16xi32>
      %add3A_13 = arith.addi %broadcast_in_dim3A_12, %add3A : vector<16xi32>
      %swap3A = arith.constant 0 : index
      %swap3A_14 = tpu.vector_load %arg6[%swap3A] {strides = array<i32>} : memref<16xi32, #tpu.memory_space<vmem>>, vector<16xi32>,
      %swap3A_15 = vector.shape_cast %swap3A_14 : vector<16xi32> to vector<16xi32>
      %swap3A_16 = vector.shape_cast %add3A_13 : vector<16xi32> to vector<16xi32>
      tpu.vector_store %arg6[%swap3A], %swap3A_16 {strides = array<i32>} : memref<16xi32, #tpu.memory_space<vmem>>, vector<16xi32>,
      "tpu.region"() ({
        %run_scoped3A = tpu.sem_alloc : memref<!tpu.dma_semaphore, #tpu.memory_space<semaphore_mem>>
        tpu.enqueue_dma source(%arg6 : memref<16xi32, #tpu.memory_space<vmem>>) target(%arg3 : memref<16xi32, #tpu.memory_space<hbm>>) target_semaphore(%run_scoped3A : memref<!tpu.dma_semaphore, #tpu.memory_space<semaphore_mem>>)
        tpu.wait_dma2 semaphore(%run_scoped3A : memref<!tpu.dma_semaphore, #tpu.memory_space<semaphore_mem>>) src(%arg6 : memref<16xi32, #tpu.memory_space<vmem>>) dst(%arg3 : memref<16xi32, #tpu.memory_space<hbm>>)
        tpu.yield
      }) : () -> ()
    } else {
    }
    return
  }
}

module attributes {stable_mosaic.version = 14 : i64} {
  func.func @_main_body(%arg0: i32, %arg1: i32, %arg2: memref<1x19x128x512xf32, #tpu.memory_space<vmem>>, %arg3: memref<1x128x512xi32, #tpu.memory_space<vmem>>, %arg4: memref<1x1xf32, #tpu.memory_space<smem>>, %arg5: memref<1x1xf32, #tpu.memory_space<smem>>, %arg6: memref<1x512xf32, #tpu.memory_space<vmem>>, %arg7: memref<1x512xf32, #tpu.memory_space<vmem>>) attributes {dimension_semantics = [#tpu.dimension_semantics<arbitrary>, #tpu.dimension_semantics<arbitrary>], iteration_bounds = array<i64: 8, 4>, scalar_prefetch = 0 : i64, scratch_operands = 2 : i64, tpu.core_type = #tpu.core_type<tc>, window_params = [{transform_indices = @transform_0, window_bounds = array<i64: 1, 19, 128, 512>}, {transform_indices = @transform_1, window_bounds = array<i64: 1, 128, 512>}, {transform_indices = @transform_2, window_bounds = array<i64: 1, 1>}, {transform_indices = @transform_3, window_bounds = array<i64: 1, 1>}]} {
    %get3A = arith.constant 0 : index
    %get3A_0 = arith.constant 0 : index
    %get3A_1 = arith.constant 0 : index
    %get3A_2 = arith.constant 0 : index
    %get3A_3 = vector.load %arg2[%get3A, %get3A_0, %get3A_1, %get3A_2] : memref<1x19x128x512xf32, #tpu.memory_space<vmem>>, vector<1x19x128x512xf32>
    %get3A_4 = vector.shape_cast %get3A_3 : vector<1x19x128x512xf32> to vector<19x128x512xf32>
    %get3A_5 = arith.constant 0 : index
    %get3A_6 = arith.constant 0 : index
    %get3A_7 = arith.constant 0 : index
    %get3A_8 = vector.load %arg3[%get3A_5, %get3A_6, %get3A_7] : memref<1x128x512xi32, #tpu.memory_space<vmem>>, vector<1x128x512xi32>
    %get3A_9 = vector.shape_cast %get3A_8 : vector<1x128x512xi32> to vector<128x512xi32>
    %reduce_max3A = arith.constant dense<0xFF800000> : vector<128x512xf32>
    %reduce_max3A_10 = vector.multi_reduction <maximumf>, %get3A_4, %reduce_max3A [0] : vector<19x128x512xf32> to vector<128x512xf32>
    %broadcast_in_dim3A = vector.shape_cast %reduce_max3A_10 : vector<128x512xf32> to vector<1x128x512xf32>
    %sub3A = vector.broadcast %broadcast_in_dim3A : vector<1x128x512xf32> to vector<19x128x512xf32>
    %sub3A_11 = arith.subf %get3A_4, %sub3A : vector<19x128x512xf32>
    %exp3A = math.exp %sub3A_11 : vector<19x128x512xf32>
    %reduce_sum3A = arith.constant dense<0.000000e+00> : vector<128x512xf32>
    %reduce_sum3A_12 = vector.multi_reduction <add>, %exp3A, %reduce_sum3A [0] : vector<19x128x512xf32> to vector<128x512xf32>
    %iota3A = tpu.iota {dimensions = array<i32: 0>} : vector<19x128x512xi32>
    %broadcast_in_dim3A_13 = vector.shape_cast %get3A_9 : vector<128x512xi32> to vector<1x128x512xi32>
    %eq3A = vector.broadcast %broadcast_in_dim3A_13 : vector<1x128x512xi32> to vector<19x128x512xi32>
    %eq3A_14 = arith.cmpi eq, %iota3A, %eq3A : vector<19x128x512xi32>
    %jit3A = arith.constant 0.000000e+00 : f32
    %broadcast_in_dim3A_15 = vector.broadcast %jit3A : f32 to vector<19x128x512xf32>
    %select_n3A = arith.select %eq3A_14, %sub3A_11, %broadcast_in_dim3A_15 : vector<19x128x512xi1>, vector<19x128x512xf32>
    %reduce_sum3A_16 = arith.constant dense<0.000000e+00> : vector<128x512xf32>
    %reduce_sum3A_17 = vector.multi_reduction <add>, %select_n3A, %reduce_sum3A_16 [0] : vector<19x128x512xf32> to vector<128x512xf32>
    %ne3A = arith.constant 255 : i32
    %ne3A_18 = vector.broadcast %ne3A : i32 to vector<128x512xi32>
    %ne3A_19 = arith.cmpi ne, %get3A_9, %ne3A_18 : vector<128x512xi32>
    %exp3A_20 = math.exp %reduce_sum3A_17 : vector<128x512xf32>
    %div3A = arith.divf %exp3A_20, %reduce_sum3A_12 : vector<128x512xf32>
    %jit3A_21 = arith.constant 1.000000e+00 : f32
    %broadcast_in_dim3A_22 = vector.broadcast %jit3A_21 : f32 to vector<128x512xf32>
    %select_n3A_23 = arith.select %ne3A_19, %div3A, %broadcast_in_dim3A_22 : vector<128x512xi1>, vector<128x512xf32>
    %log3A = math.log %reduce_sum3A_12 : vector<128x512xf32>
    %sub3A_24 = arith.subf %log3A, %reduce_sum3A_17 : vector<128x512xf32>
    %le3A = arith.constant 0.699999988 : f32
    %le3A_25 = vector.broadcast %le3A : f32 to vector<128x512xf32>
    %le3A_26 = arith.cmpf ole, %select_n3A_23, %le3A_25 : vector<128x512xf32>
    %convert_element_type3A = arith.extui %le3A_26 : vector<128x512xi1> to vector<128x512xi32>
    %convert_element_type3A_27 = arith.sitofp %convert_element_type3A : vector<128x512xi32> to vector<128x512xf32>
    %reduce_sum3A_28 = arith.constant dense<0.000000e+00> : vector<512xf32>
    %reduce_sum3A_29 = vector.multi_reduction <add>, %convert_element_type3A_27, %reduce_sum3A_28 [0] : vector<128x512xf32> to vector<512xf32>
    %jit3A_30 = arith.constant 0.000000e+00 : f32
    %broadcast_in_dim3A_31 = vector.broadcast %jit3A_30 : f32 to vector<128x512xf32>
    %select_n3A_32 = arith.select %le3A_26, %sub3A_24, %broadcast_in_dim3A_31 : vector<128x512xi1>, vector<128x512xf32>
    %reduce_sum3A_33 = arith.constant dense<0.000000e+00> : vector<512xf32>
    %reduce_sum3A_34 = vector.multi_reduction <add>, %select_n3A_32, %reduce_sum3A_33 [0] : vector<128x512xf32> to vector<512xf32>
    %eq3A_35 = arith.constant 0 : i32
    %eq3A_36 = arith.cmpi eq, %arg0, %eq3A_35 : i32
    %eq3A_37 = arith.constant 0 : i32
    %eq3A_38 = arith.cmpi eq, %arg1, %eq3A_37 : i32
    %and3A = arith.andi %eq3A_36, %eq3A_38 : i1
    %eq3A_39 = arith.constant 7 : i32
    %eq3A_40 = arith.cmpi eq, %arg0, %eq3A_39 : i32
    %eq3A_41 = arith.constant 3 : i32
    %eq3A_42 = arith.cmpi eq, %arg1, %eq3A_41 : i32
    %and3A_43 = arith.andi %eq3A_40, %eq3A_42 : i1
    %convert_element_type3A_44 = arith.extui %and3A : i1 to i32
    %cond3A = arith.constant 0 : i32
    %cond3A_45 = arith.cmpi ne, %convert_element_type3A_44, %cond3A : i32
    scf.if %cond3A_45 {
      %broadcast_in_dim3A_53 = vector.shape_cast %reduce_sum3A_29 : vector<512xf32> to vector<1x512xf32>
      %swap3A = arith.constant 0 : index
      %swap3A_54 = arith.constant 0 : index
      %swap3A_55 = vector.load %arg6[%swap3A, %swap3A_54] : memref<1x512xf32, #tpu.memory_space<vmem>>, vector<1x512xf32>
      tpu.vector_store %arg6[%swap3A, %swap3A_54], %broadcast_in_dim3A_53 {strides = array<i32>} : memref<1x512xf32, #tpu.memory_space<vmem>>, vector<1x512xf32>,
      %broadcast_in_dim3A_56 = vector.shape_cast %reduce_sum3A_34 : vector<512xf32> to vector<1x512xf32>
      %swap3A_57 = arith.constant 0 : index
      %swap3A_58 = arith.constant 0 : index
      %swap3A_59 = vector.load %arg7[%swap3A_57, %swap3A_58] : memref<1x512xf32, #tpu.memory_space<vmem>>, vector<1x512xf32>
      tpu.vector_store %arg7[%swap3A_57, %swap3A_58], %broadcast_in_dim3A_56 {strides = array<i32>} : memref<1x512xf32, #tpu.memory_space<vmem>>, vector<1x512xf32>,
    } else {
    }
    %not3A = arith.constant true
    %not3A_46 = arith.xori %and3A, %not3A : i1
    %convert_element_type3A_47 = arith.extui %not3A_46 : i1 to i32
    %cond3A_48 = arith.constant 0 : i32
    %cond3A_49 = arith.cmpi ne, %convert_element_type3A_47, %cond3A_48 : i32
    scf.if %cond3A_49 {
      %get3A_53 = arith.constant 0 : index
      %get3A_54 = arith.constant 0 : index
      %get3A_55 = vector.load %arg6[%get3A_53, %get3A_54] : memref<1x512xf32, #tpu.memory_space<vmem>>, vector<1x512xf32>
      %broadcast_in_dim3A_56 = vector.shape_cast %reduce_sum3A_29 : vector<512xf32> to vector<1x512xf32>
      %add3A = arith.addf %get3A_55, %broadcast_in_dim3A_56 : vector<1x512xf32>
      %swap3A = arith.constant 0 : index
      %swap3A_57 = arith.constant 0 : index
      %swap3A_58 = vector.load %arg6[%swap3A, %swap3A_57] : memref<1x512xf32, #tpu.memory_space<vmem>>, vector<1x512xf32>
      tpu.vector_store %arg6[%swap3A, %swap3A_57], %add3A {strides = array<i32>} : memref<1x512xf32, #tpu.memory_space<vmem>>, vector<1x512xf32>,
      %get3A_59 = arith.constant 0 : index
      %get3A_60 = arith.constant 0 : index
      %get3A_61 = vector.load %arg7[%get3A_59, %get3A_60] : memref<1x512xf32, #tpu.memory_space<vmem>>, vector<1x512xf32>
      %broadcast_in_dim3A_62 = vector.shape_cast %reduce_sum3A_34 : vector<512xf32> to vector<1x512xf32>
      %add3A_63 = arith.addf %get3A_61, %broadcast_in_dim3A_62 : vector<1x512xf32>
      %swap3A_64 = arith.constant 0 : index
      %swap3A_65 = arith.constant 0 : index
      %swap3A_66 = vector.load %arg7[%swap3A_64, %swap3A_65] : memref<1x512xf32, #tpu.memory_space<vmem>>, vector<1x512xf32>
      tpu.vector_store %arg7[%swap3A_64, %swap3A_65], %add3A_63 {strides = array<i32>} : memref<1x512xf32, #tpu.memory_space<vmem>>, vector<1x512xf32>,
    } else {
    }
    %convert_element_type3A_50 = arith.extui %and3A_43 : i1 to i32
    %cond3A_51 = arith.constant 0 : i32
    %cond3A_52 = arith.cmpi ne, %convert_element_type3A_50, %cond3A_51 : i32
    scf.if %cond3A_52 {
      %get3A_53 = arith.constant 0 : index
      %get3A_54 = arith.constant 0 : index
      %get3A_55 = vector.load %arg6[%get3A_53, %get3A_54] : memref<1x512xf32, #tpu.memory_space<vmem>>, vector<1x512xf32>
      %reduce_sum3A_56 = vector.shape_cast %get3A_55 : vector<1x512xf32> to vector<1x1x512xf32>
      %reduce_sum3A_57 = arith.constant dense<0.000000e+00> : vector<1xf32>
      %reduce_sum3A_58 = vector.multi_reduction <add>, %reduce_sum3A_56, %reduce_sum3A_57 [1, 2] : vector<1x1x512xf32> to vector<1xf32>
      %reduce_sum3A_59 = vector.shape_cast %reduce_sum3A_58 : vector<1xf32> to vector<1x1x1xf32>
      %reduce_sum3A_60 = vector.extract %reduce_sum3A_59[0, 0, 0] : f32 from vector<1x1x1xf32>
      %swap3A = arith.constant 0 : index
      %swap3A_61 = arith.constant 0 : index
      %swap3A_62 = memref.load %arg4[%swap3A, %swap3A_61] : memref<1x1xf32, #tpu.memory_space<smem>>
      memref.store %reduce_sum3A_60, %arg4[%swap3A, %swap3A_61] : memref<1x1xf32, #tpu.memory_space<smem>>
      %get3A_63 = arith.constant 0 : index
      %get3A_64 = arith.constant 0 : index
      %get3A_65 = vector.load %arg7[%get3A_63, %get3A_64] : memref<1x512xf32, #tpu.memory_space<vmem>>, vector<1x512xf32>
      %reduce_sum3A_66 = vector.shape_cast %get3A_65 : vector<1x512xf32> to vector<1x1x512xf32>
      %reduce_sum3A_67 = arith.constant dense<0.000000e+00> : vector<1xf32>
      %reduce_sum3A_68 = vector.multi_reduction <add>, %reduce_sum3A_66, %reduce_sum3A_67 [1, 2] : vector<1x1x512xf32> to vector<1xf32>
      %reduce_sum3A_69 = vector.shape_cast %reduce_sum3A_68 : vector<1xf32> to vector<1x1x1xf32>
      %reduce_sum3A_70 = vector.extract %reduce_sum3A_69[0, 0, 0] : f32 from vector<1x1x1xf32>
      %swap3A_71 = arith.constant 0 : index
      %swap3A_72 = arith.constant 0 : index
      %swap3A_73 = memref.load %arg5[%swap3A_71, %swap3A_72] : memref<1x1xf32, #tpu.memory_space<smem>>
      memref.store %reduce_sum3A_70, %arg5[%swap3A_71, %swap3A_72] : memref<1x1xf32, #tpu.memory_space<smem>>
    } else {
    }
    return
  }
  func.func @transform_0(%arg0: i32, %arg1: i32) -> (i32, i32, i32, i32) {
    %c0_i32 = arith.constant 0 : i32
    %c0_i32_0 = arith.constant 0 : i32
    %c0_i32_1 = arith.constant 0 : i32
    return %arg0, %c0_i32, %arg1, %c0_i32_0 : i32, i32, i32, i32
  }
  func.func @transform_1(%arg0: i32, %arg1: i32) -> (i32, i32, i32) {
    %c0_i32 = arith.constant 0 : i32
    %c0_i32_0 = arith.constant 0 : i32
    return %arg0, %arg1, %c0_i32 : i32, i32, i32
  }
  func.func @transform_2(%arg0: i32, %arg1: i32) -> (i32, i32) {
    %c0_i32 = arith.constant 0 : i32
    %c0_i32_0 = arith.constant 0 : i32
    %c0_i32_1 = arith.constant 0 : i32
    return %c0_i32, %c0_i32_0 : i32, i32
  }
  func.func @transform_3(%arg0: i32, %arg1: i32) -> (i32, i32) {
    %c0_i32 = arith.constant 0 : i32
    %c0_i32_0 = arith.constant 0 : i32
    %c0_i32_1 = arith.constant 0 : i32
    return %c0_i32, %c0_i32_0 : i32, i32
  }
}

module attributes {stable_mosaic.version = 14 : i64} {
  func.func @_mat_body(%arg0: i32, %arg1: i32, %arg2: memref<1x19x128x512xf32, #tpu.memory_space<vmem>>, %arg3: memref<1x128x512xi32, #tpu.memory_space<vmem>>, %arg4: memref<1x128x512xf32, #tpu.memory_space<vmem>>, %arg5: memref<1x128x512xf32, #tpu.memory_space<vmem>>) attributes {dimension_semantics = [#tpu.dimension_semantics<arbitrary>, #tpu.dimension_semantics<arbitrary>], iteration_bounds = array<i64: 8, 4>, scalar_prefetch = 0 : i64, scratch_operands = 0 : i64, tpu.core_type = #tpu.core_type<tc>, window_params = [{transform_indices = @transform_0, window_bounds = array<i64: 1, 19, 128, 512>}, {transform_indices = @transform_1, window_bounds = array<i64: 1, 128, 512>}, {transform_indices = @transform_2, window_bounds = array<i64: 1, 128, 512>}, {transform_indices = @transform_3, window_bounds = array<i64: 1, 128, 512>}]} {
    %get3A = arith.constant 0 : index
    %get3A_0 = arith.constant 0 : index
    %get3A_1 = arith.constant 0 : index
    %get3A_2 = arith.constant 0 : index
    %get3A_3 = vector.load %arg2[%get3A, %get3A_0, %get3A_1, %get3A_2] : memref<1x19x128x512xf32, #tpu.memory_space<vmem>>, vector<1x19x128x512xf32>
    %get3A_4 = vector.shape_cast %get3A_3 : vector<1x19x128x512xf32> to vector<19x128x512xf32>
    %get3A_5 = arith.constant 0 : index
    %get3A_6 = arith.constant 0 : index
    %get3A_7 = arith.constant 0 : index
    %get3A_8 = vector.load %arg3[%get3A_5, %get3A_6, %get3A_7] : memref<1x128x512xi32, #tpu.memory_space<vmem>>, vector<1x128x512xi32>
    %get3A_9 = vector.shape_cast %get3A_8 : vector<1x128x512xi32> to vector<128x512xi32>
    %reduce_max3A = arith.constant dense<0xFF800000> : vector<128x512xf32>
    %reduce_max3A_10 = vector.multi_reduction <maximumf>, %get3A_4, %reduce_max3A [0] : vector<19x128x512xf32> to vector<128x512xf32>
    %broadcast_in_dim3A = vector.shape_cast %reduce_max3A_10 : vector<128x512xf32> to vector<1x128x512xf32>
    %sub3A = vector.broadcast %broadcast_in_dim3A : vector<1x128x512xf32> to vector<19x128x512xf32>
    %sub3A_11 = arith.subf %get3A_4, %sub3A : vector<19x128x512xf32>
    %exp3A = math.exp %sub3A_11 : vector<19x128x512xf32>
    %reduce_sum3A = arith.constant dense<0.000000e+00> : vector<128x512xf32>
    %reduce_sum3A_12 = vector.multi_reduction <add>, %exp3A, %reduce_sum3A [0] : vector<19x128x512xf32> to vector<128x512xf32>
    %iota3A = tpu.iota {dimensions = array<i32: 0>} : vector<19x128x512xi32>
    %broadcast_in_dim3A_13 = vector.shape_cast %get3A_9 : vector<128x512xi32> to vector<1x128x512xi32>
    %eq3A = vector.broadcast %broadcast_in_dim3A_13 : vector<1x128x512xi32> to vector<19x128x512xi32>
    %eq3A_14 = arith.cmpi eq, %iota3A, %eq3A : vector<19x128x512xi32>
    %jit3A = arith.constant 0.000000e+00 : f32
    %broadcast_in_dim3A_15 = vector.broadcast %jit3A : f32 to vector<19x128x512xf32>
    %select_n3A = arith.select %eq3A_14, %sub3A_11, %broadcast_in_dim3A_15 : vector<19x128x512xi1>, vector<19x128x512xf32>
    %reduce_sum3A_16 = arith.constant dense<0.000000e+00> : vector<128x512xf32>
    %reduce_sum3A_17 = vector.multi_reduction <add>, %select_n3A, %reduce_sum3A_16 [0] : vector<19x128x512xf32> to vector<128x512xf32>
    %ne3A = arith.constant 255 : i32
    %ne3A_18 = vector.broadcast %ne3A : i32 to vector<128x512xi32>
    %ne3A_19 = arith.cmpi ne, %get3A_9, %ne3A_18 : vector<128x512xi32>
    %exp3A_20 = math.exp %reduce_sum3A_17 : vector<128x512xf32>
    %div3A = arith.divf %exp3A_20, %reduce_sum3A_12 : vector<128x512xf32>
    %jit3A_21 = arith.constant 1.000000e+00 : f32
    %broadcast_in_dim3A_22 = vector.broadcast %jit3A_21 : f32 to vector<128x512xf32>
    %select_n3A_23 = arith.select %ne3A_19, %div3A, %broadcast_in_dim3A_22 : vector<128x512xi1>, vector<128x512xf32>
    %log3A = math.log %reduce_sum3A_12 : vector<128x512xf32>
    %sub3A_24 = arith.subf %log3A, %reduce_sum3A_17 : vector<128x512xf32>
    %jit3A_25 = arith.constant -1.000000e+00 : f32
    %broadcast_in_dim3A_26 = vector.broadcast %jit3A_25 : f32 to vector<128x512xf32>
    %select_n3A_27 = arith.select %ne3A_19, %sub3A_24, %broadcast_in_dim3A_26 : vector<128x512xi1>, vector<128x512xf32>
    %swap3A = arith.constant 0 : index
    %swap3A_28 = arith.constant 0 : index
    %swap3A_29 = arith.constant 0 : index
    %swap3A_30 = vector.load %arg4[%swap3A, %swap3A_28, %swap3A_29] : memref<1x128x512xf32, #tpu.memory_space<vmem>>, vector<1x128x512xf32>
    %swap3A_31 = vector.shape_cast %swap3A_30 : vector<1x128x512xf32> to vector<128x512xf32>
    %swap3A_32 = vector.shape_cast %select_n3A_23 : vector<128x512xf32> to vector<1x128x512xf32>
    tpu.vector_store %arg4[%swap3A, %swap3A_28, %swap3A_29], %swap3A_32 {strides = array<i32>} : memref<1x128x512xf32, #tpu.memory_space<vmem>>, vector<1x128x512xf32>,
    %swap3A_33 = arith.constant 0 : index
    %swap3A_34 = arith.constant 0 : index
    %swap3A_35 = arith.constant 0 : index
    %swap3A_36 = vector.load %arg5[%swap3A_33, %swap3A_34, %swap3A_35] : memref<1x128x512xf32, #tpu.memory_space<vmem>>, vector<1x128x512xf32>
    %swap3A_37 = vector.shape_cast %swap3A_36 : vector<1x128x512xf32> to vector<128x512xf32>
    %swap3A_38 = vector.shape_cast %select_n3A_27 : vector<128x512xf32> to vector<1x128x512xf32>
    tpu.vector_store %arg5[%swap3A_33, %swap3A_34, %swap3A_35], %swap3A_38 {strides = array<i32>} : memref<1x128x512xf32, #tpu.memory_space<vmem>>, vector<1x128x512xf32>,
    return
  }
  func.func @transform_0(%arg0: i32, %arg1: i32) -> (i32, i32, i32, i32) {
    %c0_i32 = arith.constant 0 : i32
    %c0_i32_0 = arith.constant 0 : i32
    %c0_i32_1 = arith.constant 0 : i32
    return %arg0, %c0_i32, %arg1, %c0_i32_0 : i32, i32, i32, i32
  }
  func.func @transform_1(%arg0: i32, %arg1: i32) -> (i32, i32, i32) {
    %c0_i32 = arith.constant 0 : i32
    %c0_i32_0 = arith.constant 0 : i32
    return %arg0, %arg1, %c0_i32 : i32, i32, i32
  }
  func.func @transform_2(%arg0: i32, %arg1: i32) -> (i32, i32, i32) {
    %c0_i32 = arith.constant 0 : i32
    %c0_i32_0 = arith.constant 0 : i32
    return %arg0, %arg1, %c0_i32 : i32, i32, i32
  }
  func.func @transform_3(%arg0: i32, %arg1: i32) -> (i32, i32, i32) {
    %c0_i32 = arith.constant 0 : i32
    %c0_i32_0 = arith.constant 0 : i32
    return %arg0, %arg1, %c0_i32 : i32, i32, i32
  }
}

module attributes {stable_mosaic.version = 14 : i64} {
  func.func @_final_body(%arg0: i32, %arg1: memref<1xf32, #tpu.memory_space<smem>>, %arg2: memref<1x512x512xf32, #tpu.memory_space<vmem>>, %arg3: memref<1x512x512xf32, #tpu.memory_space<vmem>>, %arg4: memref<1x512xf32, #tpu.memory_space<vmem>>, %arg5: memref<1x512xf32, #tpu.memory_space<vmem>>) attributes {dimension_semantics = [#tpu.dimension_semantics<arbitrary>], iteration_bounds = array<i64: 8>, scalar_prefetch = 0 : i64, scratch_operands = 0 : i64, tpu.core_type = #tpu.core_type<tc>, window_params = [{transform_indices = @transform_0, window_bounds = array<i64: 1>}, {transform_indices = @transform_1, window_bounds = array<i64: 1, 512, 512>}, {transform_indices = @transform_2, window_bounds = array<i64: 1, 512, 512>}, {pipeline_mode = #tpu.pipeline_mode<synchronous>, transform_indices = @transform_3, window_bounds = array<i64: 1, 512>}, {pipeline_mode = #tpu.pipeline_mode<synchronous>, transform_indices = @transform_4, window_bounds = array<i64: 1, 512>}]} {
    %get3A = arith.constant 0 : index
    %get3A_0 = memref.load %arg1[%get3A] : memref<1xf32, #tpu.memory_space<smem>>
    %get3A_1 = arith.constant 0 : index
    %get3A_2 = arith.constant 0 : index
    %get3A_3 = arith.constant 0 : index
    %get3A_4 = vector.load %arg2[%get3A_1, %get3A_2, %get3A_3] : memref<1x512x512xf32, #tpu.memory_space<vmem>>, vector<1x512x512xf32>
    %get3A_5 = vector.shape_cast %get3A_4 : vector<1x512x512xf32> to vector<512x512xf32>
    %get3A_6 = arith.constant 0 : index
    %get3A_7 = arith.constant 0 : index
    %get3A_8 = arith.constant 0 : index
    %get3A_9 = vector.load %arg3[%get3A_6, %get3A_7, %get3A_8] : memref<1x512x512xf32, #tpu.memory_space<vmem>>, vector<1x512x512xf32>
    %get3A_10 = vector.shape_cast %get3A_9 : vector<1x512x512xf32> to vector<512x512xf32>
    %le3A = vector.broadcast %get3A_0 : f32 to vector<512x512xf32>
    %le3A_11 = arith.cmpf ole, %get3A_5, %le3A : vector<512x512xf32>
    %ge3A = arith.constant -5.000000e-01 : f32
    %ge3A_12 = vector.broadcast %ge3A : f32 to vector<512x512xf32>
    %ge3A_13 = arith.cmpf oge, %get3A_10, %ge3A_12 : vector<512x512xf32>
    %and3A = arith.andi %le3A_11, %ge3A_13 : vector<512x512xi1>
    %convert_element_type3A = arith.extui %and3A : vector<512x512xi1> to vector<512x512xi32>
    %convert_element_type3A_14 = arith.sitofp %convert_element_type3A : vector<512x512xi32> to vector<512x512xf32>
    %reduce_sum3A = arith.constant dense<0.000000e+00> : vector<512xf32>
    %reduce_sum3A_15 = vector.multi_reduction <add>, %convert_element_type3A_14, %reduce_sum3A [0] : vector<512x512xf32> to vector<512xf32>
    %jit3A = arith.constant 0.000000e+00 : f32
    %broadcast_in_dim3A = vector.broadcast %jit3A : f32 to vector<512x512xf32>
    %select_n3A = arith.select %and3A, %get3A_10, %broadcast_in_dim3A : vector<512x512xi1>, vector<512x512xf32>
    %reduce_sum3A_16 = arith.constant dense<0.000000e+00> : vector<512xf32>
    %reduce_sum3A_17 = vector.multi_reduction <add>, %select_n3A, %reduce_sum3A_16 [0] : vector<512x512xf32> to vector<512xf32>
    %eq3A = arith.constant 0 : i32
    %eq3A_18 = arith.cmpi eq, %arg0, %eq3A : i32
    %convert_element_type3A_19 = arith.extui %eq3A_18 : i1 to i32
    %cond3A = arith.constant 0 : i32
    %cond3A_20 = arith.cmpi ne, %convert_element_type3A_19, %cond3A : i32
    scf.if %cond3A_20 {
      %broadcast_in_dim3A_25 = vector.shape_cast %reduce_sum3A_15 : vector<512xf32> to vector<1x512xf32>
      %swap3A = arith.constant 0 : index
      %swap3A_26 = arith.constant 0 : index
      %swap3A_27 = vector.load %arg4[%swap3A, %swap3A_26] : memref<1x512xf32, #tpu.memory_space<vmem>>, vector<1x512xf32>
      tpu.vector_store %arg4[%swap3A, %swap3A_26], %broadcast_in_dim3A_25 {strides = array<i32>} : memref<1x512xf32, #tpu.memory_space<vmem>>, vector<1x512xf32>,
      %broadcast_in_dim3A_28 = vector.shape_cast %reduce_sum3A_17 : vector<512xf32> to vector<1x512xf32>
      %swap3A_29 = arith.constant 0 : index
      %swap3A_30 = arith.constant 0 : index
      %swap3A_31 = vector.load %arg5[%swap3A_29, %swap3A_30] : memref<1x512xf32, #tpu.memory_space<vmem>>, vector<1x512xf32>
      tpu.vector_store %arg5[%swap3A_29, %swap3A_30], %broadcast_in_dim3A_28 {strides = array<i32>} : memref<1x512xf32, #tpu.memory_space<vmem>>, vector<1x512xf32>,
    } else {
    }
    %not3A = arith.constant true
    %not3A_21 = arith.xori %eq3A_18, %not3A : i1
    %convert_element_type3A_22 = arith.extui %not3A_21 : i1 to i32
    %cond3A_23 = arith.constant 0 : i32
    %cond3A_24 = arith.cmpi ne, %convert_element_type3A_22, %cond3A_23 : i32
    scf.if %cond3A_24 {
      %get3A_25 = arith.constant 0 : index
      %get3A_26 = arith.constant 0 : index
      %get3A_27 = vector.load %arg4[%get3A_25, %get3A_26] : memref<1x512xf32, #tpu.memory_space<vmem>>, vector<1x512xf32>
      %broadcast_in_dim3A_28 = vector.shape_cast %reduce_sum3A_15 : vector<512xf32> to vector<1x512xf32>
      %add3A = arith.addf %get3A_27, %broadcast_in_dim3A_28 : vector<1x512xf32>
      %swap3A = arith.constant 0 : index
      %swap3A_29 = arith.constant 0 : index
      %swap3A_30 = vector.load %arg4[%swap3A, %swap3A_29] : memref<1x512xf32, #tpu.memory_space<vmem>>, vector<1x512xf32>
      tpu.vector_store %arg4[%swap3A, %swap3A_29], %add3A {strides = array<i32>} : memref<1x512xf32, #tpu.memory_space<vmem>>, vector<1x512xf32>,
      %get3A_31 = arith.constant 0 : index
      %get3A_32 = arith.constant 0 : index
      %get3A_33 = vector.load %arg5[%get3A_31, %get3A_32] : memref<1x512xf32, #tpu.memory_space<vmem>>, vector<1x512xf32>
      %broadcast_in_dim3A_34 = vector.shape_cast %reduce_sum3A_17 : vector<512xf32> to vector<1x512xf32>
      %add3A_35 = arith.addf %get3A_33, %broadcast_in_dim3A_34 : vector<1x512xf32>
      %swap3A_36 = arith.constant 0 : index
      %swap3A_37 = arith.constant 0 : index
      %swap3A_38 = vector.load %arg5[%swap3A_36, %swap3A_37] : memref<1x512xf32, #tpu.memory_space<vmem>>, vector<1x512xf32>
      tpu.vector_store %arg5[%swap3A_36, %swap3A_37], %add3A_35 {strides = array<i32>} : memref<1x512xf32, #tpu.memory_space<vmem>>, vector<1x512xf32>,
    } else {
    }
    return
  }
  func.func @transform_0(%arg0: i32) -> i32 {
    %c0_i32 = arith.constant 0 : i32
    %c0_i32_0 = arith.constant 0 : i32
    return %c0_i32 : i32
  }
  func.func @transform_1(%arg0: i32) -> (i32, i32, i32) {
    %c0_i32 = arith.constant 0 : i32
    %c0_i32_0 = arith.constant 0 : i32
    %c0_i32_1 = arith.constant 0 : i32
    return %arg0, %c0_i32, %c0_i32_0 : i32, i32, i32
  }
  func.func @transform_2(%arg0: i32) -> (i32, i32, i32) {
    %c0_i32 = arith.constant 0 : i32
    %c0_i32_0 = arith.constant 0 : i32
    %c0_i32_1 = arith.constant 0 : i32
    return %arg0, %c0_i32, %c0_i32_0 : i32, i32, i32
  }
  func.func @transform_3(%arg0: i32) -> (i32, i32) {
    %c0_i32 = arith.constant 0 : i32
    %c0_i32_0 = arith.constant 0 : i32
    %c0_i32_1 = arith.constant 0 : i32
    return %c0_i32, %c0_i32_0 : i32, i32
  }
  func.func @transform_4(%arg0: i32) -> (i32, i32) {
    %c0_i32 = arith.constant 0 : i32
    %c0_i32_0 = arith.constant 0 : i32
    %c0_i32_1 = arith.constant 0 : i32
    return %c0_i32, %c0_i32_0 : i32, i32
  }
}

</mosaic_0001>

<sc_bundles>
// kernel: branch_0_fun.5.cloned.1.call-start
scs
__scs_entry_jumppad:
0x0: {  	(pc) =	sbr.rel $0x88, $3  }
0x1: {  	(tag) =	ssettag $0x0;
	lr =	simm.s32 $0x1  }
0x2: {  	[smem:$0x3F9F] =	sst lr;
	_ =	strace $0xD0000000  }
0x3: {  	_ = 	snop  }
0x4: {  	_ = 	snop  }
0x5: {  	_ = 	snop  }
0x6: {  	_ = 	snop  }
0x7: {  	_ = 	snop  }
__scs_overlays_trampoline_lowered:
0x8: {  	[smem:$0x3FAE] =	sst s0  }
0x9: {  	[smem:$0x3FAF] =	sst s1  }
0xa: {  	[smem:$0x3FB0] =	sst s2  }
0xb: {  	[smem:$0x3FB1] =	sst s3  }
0xc: {  	[smem:$0x3FB2] =	sst s4  }
0xd: {  	[smem:$0x3FB3] =	sst s5  }
0xe: {  	[smem:$0x3FB4] =	sst s6  }
0xf: {  	[smem:$0x3FB5] =	sst s7  }
0x10: {  	[smem:$0x3FB6] =	sst s8  }
0x11: {  	[smem:$0x3FB7] =	sst s9;
	s0 =	simm.s32 @!p0 $0x0  }
0x12: {  	s1 =	sld [smem:$0x3F9D];
	s0 =	simm.s32 @p0 $0x1  }
0x13: {  	[smem:$0x3FB8] =	sst s0;
	s0 =	simm.s32 @!p1 $0x0  }
0x14: {  	s2 =	sld [smem:$0x3F9C];
	s0 =	simm.s32 @p1 $0x1  }
0x15: {  	[smem:$0x3FB9] =	sst s0;
	s0 =	simm.s32 @!p2 $0x0  }
0x16: {  	s3 =	sld [smem:$0x3FDB];
	s0 =	simm.s32 @p2 $0x1  }
0x17: {  	s4 =	simm.s32 $0x1BF5;
	[smem:$0x3FBB] =	sst s0  }
0x18: {  	s0 =	sld [smem:$0x3F9E];
	_ =	swait.ge [sflag:s4], $0x0  }
0x19: {  	s7 =	sld [smem:$0x3F9F]  }
0x1a: {  	s8 =	sadd.s32 $0xFFFFE003, lr  }
0x1b: {  	s9 =	sadd.s32 $0xFFFFFEF7, lr;
	s5 =	simm.s32 $0xFFFFFFFF;
	p2 =	slt.u32 s8, $0xFFFFF086  }
0x1c: {  	p1 =	slt.u32 s9, $0xF7A;
	s5 =	simm.s32 @!p2 $0x0  }
0x1d: {  	s5 =	simm.s32 @p1 $0x1;
	p0 =	seq.s32 s7, s2  }
0x1e: {  	s7 =	smul.u32 @!p0 $0xF7A, s2;
	p2 =	seq.s32 @!p0 s5, $0x0  }
0x1f: {  	s9 =	smul.u32 $0xF7A, s1;
	s8 =	simm.s32 @!p0 $0x1BF5;
	p2 =	por !p2, p0  }
0x20: {  	[sflag:s8] =	ssyncset.s32 @!p0 $0xFFFFF086;
	s6 =	sadd.s32 @!p0 s3, s7;
	s7 =	simm.s32 @!p0 $0x108  }
0x21: {  	s3 =	sadd.s32 s3, s9;
	s6 =	sadd.s32 @!p0 $0x88, s6;
	s7 =	simm.s32 @p2 $0x1082  }
0x22: {  	[simem:s7], [sflag:s8] =	dma.local @!p0 [hbm:s6], $0xF7A  }
0x23: {  	s9 =	sor.u32 $0xD0000000, s2;
	s6 =	simm.s32 $0x108;
	_ =	swait.ge @!p0 [sflag:s8], $0x0  }
0x24: {  	s3 =	sadd.s32 $0x88, s3;
	s6 =	simm.s32 @!p1 $0x1082;
	[sflag:s4] =	ssyncset.s32 $0xFFFFF086  }
0x25: {  	[simem:s6], [sflag:s4] =	dma.local [hbm:s3], $0xF7A  }
0x26: {  	[smem:$0x3F9F] =	sst s1;
	(tag) =	ssettag s2;
	_ =	strace s9  }
0x27: {  	s1 =	sld [smem:$0x3FAF]  }
0x28: {  	s2 =	sld [smem:$0x3FB0]  }
0x29: {  	s4 =	sld [smem:$0x3FB2]  }
0x2a: {  	p0 =	seq.s32 s5, $0x0;
	s5 =	sld [smem:$0x3FB3]  }
0x2b: {  	s6 =	sld [smem:$0x3FB4]  }
0x2c: {  	s7 =	sld [smem:$0x3FB5]  }
0x2d: {  	s3 =	simm.s32 $0x108;
	s8 =	sld [smem:$0x3FB6]  }
0x2e: {  	s3 =	simm.s32 @!p0 $0x1082;
	s9 =	sld [smem:$0x3FB7]  }
0x2f: {  	lr =	sadd.s32 s0, s3;
	s0 =	sld [smem:$0x3FAE]  }
0x30: {  	s3 =	sld [smem:$0x3FB1]  }
0x31: {  	[smem:$0x3FBA] =	sst s10  }
0x32: {  	s10 =	sld [smem:$0x3FB8];
	_ =	sdelay $0x3  }
0x33: {  	p0 =	seq.s32 s10, $0x1;
	s10 =	sld [smem:$0x3FBA];
	_ =	sdelay $0x3  }
0x34: {  	[smem:$0x3FBA] =	sst s10  }
0x35: {  	s10 =	sld [smem:$0x3FB9];
	_ =	sdelay $0x3  }
0x36: {  	p1 =	seq.s32 s10, $0x1;
	s10 =	sld [smem:$0x3FBA];
	_ =	sdelay $0x3  }
0x37: {  	[smem:$0x3FBA] =	sst s10  }
0x38: {  	s10 =	sld [smem:$0x3FBB]  }
0x39: {  	_ = 	snop;
	(pc) =	sbr.ind lr, $3  }
0x3a: {  	_ = 	snop  }
0x3b: {  	_ = 	snop  }
0x3c: {  	p2 =	seq.s32 s10, $0x1;
	s10 =	sld [smem:$0x3FBA]  }
0x3d: {  	_ =	shalt  }
0x3e: {  	_ =	shalt  }
0x3f: {  	_ =	shalt  }
0x40: {  	_ =	shalt  }
0x41: {  	_ =	shalt  }
0x42: {  	_ =	shalt  }
0x43: {  	_ =	shalt  }
0x44: {  	_ =	shalt  }
0x45: {  	_ =	shalt  }
0x46: {  	_ =	shalt  }
0x47: {  	_ =	shalt  }
0x48: {  	_ =	shalt  }
0x49: {  	_ =	shalt  }
0x4a: {  	_ =	shalt  }
0x4b: {  	_ =	shalt  }
0x4c: {  	_ =	shalt  }
0x4d: {  	_ =	shalt  }
0x4e: {  	_ =	shalt  }
0x4f: {  	_ =	shalt  }
0x50: {  	_ =	shalt  }
0x51: {  	_ =	shalt  }
0x52: {  	_ =	shalt  }
0x53: {  	_ =	shalt  }
0x54: {  	_ =	shalt  }
0x55: {  	_ =	shalt  }
0x56: {  	_ =	shalt  }
0x57: {  	_ =	shalt  }
0x58: {  	_ =	shalt  }
0x59: {  	_ =	shalt  }
0x5a: {  	_ =	shalt  }
0x5b: {  	_ =	shalt  }
0x5c: {  	_ =	shalt  }
0x5d: {  	_ =	shalt  }
0x5e: {  	_ =	shalt  }
0x5f: {  	_ =	shalt  }
0x60: {  	_ =	shalt  }
0x61: {  	_ =	shalt  }
0x62: {  	_ =	shalt  }
0x63: {  	_ =	shalt  }
0x64: {  	_ =	shalt  }
0x65: {  	_ =	shalt  }
0x66: {  	_ =	shalt  }
0x67: {  	_ =	shalt  }
0x68: {  	_ =	shalt  }
0x69: {  	_ =	shalt  }
0x6a: {  	_ =	shalt  }
0x6b: {  	_ =	shalt  }
0x6c: {  	_ =	shalt  }
0x6d: {  	_ =	shalt  }
0x6e: {  	_ =	shalt  }
0x6f: {  	_ =	shalt  }
0x70: {  	_ =	shalt  }
0x71: {  	_ =	shalt  }
0x72: {  	_ =	shalt  }
0x73: {  	_ =	shalt  }
0x74: {  	_ =	shalt  }
0x75: {  	_ =	shalt  }
0x76: {  	_ =	shalt  }
0x77: {  	_ =	shalt  }
0x78: {  	_ =	shalt  }
0x79: {  	_ =	shalt  }
0x7a: {  	_ =	shalt  }
0x7b: {  	_ =	shalt  }
0x7c: {  	_ =	shalt  }
0x7d: {  	_ =	shalt  }
0x7e: {  	_ =	shalt  }
0x7f: {  	_ =	shalt  }
0x80: {  	_ =	shalt  }
0x81: {  	_ =	shalt  }
0x82: {  	_ =	shalt  }
0x83: {  	_ =	shalt  }
0x84: {  	_ =	shalt  }
0x85: {  	_ =	shalt  }
0x86: {  	_ =	shalt  }
0x87: {  	_ =	shalt  }
.Lfunc_end0:
.L_simem_size_0:
called_computation_lowered:
.L_overlay_start_0:
0x88: {  	s2 =	sld [smem:$0x3FD9]  }
0x89: {  	s3 =	sld [smem:$0x3FFE];
	_ =	sdelay $0x1  }
0x8a: {  	s1 =	srdreg.scid  }
0x8b: {  	s0 =	sand.u32 $0x1, s1  }
0x8c: {  	s17 =	sshll.u32 s0, $0xA;
	s2 =	sadd.s32 s3, s2  }
0x8d: {  	s2 =	sadd.s32 s2, s17  }
0x8e: {  	[smem:$0x3FC6] =	sst s2  }
0x8f: {  	_ = 	snop  }
0x90: {  	s2 =	sld [smem:$0x3FD0];
	(tm) =	ssettm $0x1  }
0x91: {  	s18 =	sld [smem:$0x3FFB];
	_ =	sdelay $0x3  }
0x92: {  	_ =	strace s18  }
0x93: {  	s3 =	sld [smem:$0x3FFC];
	_ =	sdelay $0x3  }
0x94: {  	_ =	strace s3  }
0x95: {  	s3 =	sld [smem:$0x3FFD];
	_ =	sdelay $0x3  }
0x96: {  	_ =	strace s3  }
0x97: {  	_ =	strace $0x8FFFFFFF  }
0x98: {  	s19 =	sld [smem:$0x3FDB];
	_ =	sdelay $0x1  }
0x99: {  	s4 =	simm.s32 $_scs_section_size  }
0x9a: {  	s5 =	simm.s32 $_size__tile_overlayer_lowered;
	s6 =	simm.s32 $_tile_overlayer_lowered  }
0x9b: {  	s22 =	simm.s32 $0x1BFF;
	s21 =	sshll.u32 s6, $0x1;
	s3 =	sadd.s32 s4, s19  }
0x9c: {  	s7 =	simm.s32 $0x0;
	s20 =	sshll.u32 s5, $0x1;
	s5 =	sadd.s32 s21, s3  }
0x9d: {  	[timem:s7], [sflag:s22] =	dma.local [hbm:s5], s20  }
0x9e: {  	_ =	swait.ge [sflag:s22], s20  }
0x9f: {  	s4 =	ssub.s32 $0x0, s20;
	[sflag:s22] =	ssyncset.done $0x0  }
0xa0: {  	[sflag:s22] =	ssyncadd.s32 s4;
	_ =	sdelay $0x1  }
0xa1: {  	s23 =	simm.s32 $0x1B8B  }
0xa2: {  	_ =	swait.ge [sflag:s23], $0x1  }
0xa3: {  	[sflag:s23] =	ssyncset.done $0x0  }
0xa4: {  	s25 =	simm.s32 $0x1B8E;
	s24 =	sld [smem:$0x3FFE];
	[sflag:s23] =	ssyncadd.s32 $0xFFFFFFFF  }
0xa5: {  	s26 =	simm.s32 $execute0_lowered;
	[smem:$0x3FD2] =	sst s25  }
0xa6: {  	s5 =	sshll.u32 s26, $0x1;
	_ =	strace $0x80000046;
	[dreg:$0x1] =	wrdreg $0xFFFFFFFF  }
0xa7: {  	s28 =	simm.s32 $_size_execute0_lowered;
	s3 =	sadd.s32 s3, s5;
	[dreg:$0x0] =	wrdreg $0x0  }
0xa8: {  	s5 =	sshll.u32 s28, $0x1;
	[dreg:$0x2] =	wrdreg s3  }
0xa9: {  	[dreg:$0x3] =	wrdreg s5  }
0xaa: {  	[dreg:$0x4] =	wrdreg $0xC0  }
0xab: {  	_ =	task [dreg:s7], $0x5FFFF  }
0xac: {  	[dreg:$0x1] =	wrdreg $0xFFFFFFFF  }
0xad: {  	[dreg:$0x0] =	wrdreg $0x60  }
0xae: {  	[dreg:$0x2] =	wrdreg s24  }
0xaf: {  	[dreg:$0x3] =	wrdreg s2  }
0xb0: {  	[dreg:$0x4] =	wrdreg $0x108800  }
0xb1: {  	[dreg:$0x5] =	wrdreg $0x9  }
0xb2: {  	_ =	task.clear_ibuf [dreg:s7], $0x6FFFF;
	_ =	strace $0x90000046  }
0xb3: {  	s29 =	simm.s32 $0x9;
	_ =	strace $0x80000048  }
0xb4: {  	_ =	swait.ge [sflag:s29], $0x1  }
0xb5: {  	[sflag:s29] =	ssyncadd.s32 $0xFFFFFFFF  }
0xb6: {  	_ =	strace $0x90000048  }
0xb7: {  	_ =	sfence  }
0xb8: {  	s30 =	sld [smem:$0x0];
	_ =	sdelay $0x2  }
0xb9: {  	s31 =	sshll.u32 s1, $0xD;
	s1 =	sshrl.u32 s1, $0x2  }
0xba: {  	s3 =	sand.u32 $0x4000, s31;
	s1 =	sadd.s32 s1, s30  }
0xbb: {  	s0 =	sor.u32 s3, s0;
	s1 =	sshll.u32 s1, $0x11  }
0xbc: {  	s0 =	sor.u32 s1, s0  }
0xbd: {  	s0 =	sadd.s32 $0x8F2B, s0  }
0xbe: {  	[sflag:s0] =	ssyncadd.remote.s32 $0x1  }
0xbf: {  	_ =	sfence.sel $0xFFFF  }
0xc0: {  	[dreg:$0x0] =	wrdreg $0xFFFFFFFF;
	(pc) =	sbr.abs _section_cstart, $3  }
0xc1: {  	[dreg:$0x1] =	wrdreg $0xFFFFFFFF  }
0xc2: {  	_ =	task.clear_ibuf [dreg:s7], $0x2FFFF;
	_ =	strace $0x9FFFFFFF  }
0xc3: {  	(tm) =	ssettm $0x7FFFFFFF  }
tec
execute0_lowered:
.L_overlay_start_1:
0x0: {  	(tag) =	ssettag $0x1  }
0x1: {  	s5 =	rddreg [dreg:$0x0]  }
0x2: {  	s1 =	rddreg [dreg:$0x1]  }
0x3: {  	s3 =	rddreg [dreg:$0x2]  }
0x4: {  	s0 =	rddreg [dreg:$0x3];
	s6 =	srdreg.scid  }
0x5: {  	s4 =	simm.s32 $0x0;
	s2 =	stileid.u32;
	s10 =	simm.s32 $0x10800  }
0x6: {  	s11 =	simm.s32 $0x10000;
	s8 =	sand.u32 $0x1, s6;
	[smem:$0x7FF] =	sst s4  }
0x7: {  	s29 =	sshll.u32 s2, $0xE;
	s31 =	sshll.u32 s2, $0x7;
	s7 =	ssub.s32 $0x2, s8  }
0x8: {  	_ =	strace $0x80000047;
	s6 =	sadd.s32 s29, s5;
	s12 =	sor.u32 s2, s8  }
0x9: {  	s30 =	sshrl.u32 s7, $0x1;
	s5 =	sadd.s32 $0xE00, s6;
	s6 =	sadd.s32 $0x2E00, s6  }
0xa: {  	p0 =	sne.s32 s12, $0x0;
	s12 =	simm.s32 $0x0;
	s9 =	ssub.s32 s7, s30  }
0xb: {  	v0 =	vimm.s32 $0x0;
	s7 =	sadd.s32 s31, s3;
	s8 =	smax.u32 s9, $0x1;
	s9 =	simm.s32 $0x1  }
.LBB2_1:
0xc: {  	s13 =	simm.s32 $0x3F800000;
	s15 =	simm.s32 $0x0;
	s14 =	simm.s32 $0x0  }
.LBB2_2:
0xd: {  	[tilespmem:s4], [sflag:$0x1] =	stream.linear.gather [hbm4b:s5+s4], $0x10000, $0x38;
	[tilespmem:$0x10890] =	vst v63  }
0xe: {  	s16 =	sadd.s32 s15, s13;
	_ =	swait.ge [sflag:s9], $0x10000  }
0xf: {  	s31 =	simm.s32 $0x20;
	s17 =	sand.u32 $0x1, s16;
	[sflag:s9] =	ssyncset.done $0x0  }
0x10: {  	p1 =	slt.s32 s16, $0x1;
	p2 =	seq.s32 s17, $0x1;
	[sflag:s9] =	ssyncadd.s32 $0xFFFF0000  }
0x11: {  	s18 =	sshrl.u32 s16, $0x1F;
	p1 =	por !p1, !p2;
	v2 =	vld [tilespmem:s31+$0xFFFFFFE0]  }
0x12: {  	s16 =	sadd.s32 s18, s16;
	s18 =	simm.s32 $0x1;
	p1 =	por !p1, !p1;
	v3 =	vld [tilespmem:s31+$0xFFFFFFF0]  }
0x13: {  	s16 =	sshra.s32 s16, $0x1;
	v4 =	vld [tilespmem:s31+$0x0];
	s18 =	simm.s32 @!p1 $0x0  }
0x14: {  	v6 =	vld [tilespmem:s31+$0x10];
	s16 =	ssub.s32 s16, s18  }
0x15: {  	v1 =	vmov s16  }
0x16: {  	s17 =	simm.s32 $0x60;
	vm0 =	vle.s32 v2, v1  }
0x17: {  	v7 =	vimm.s32 $0x0;
	v5 =	vld [tilespmem:s17+$0xFFFFFFE0];
	vm13 =	vle.s32 v3, v1;
	v8 =	vsel vm0, $0x1, v0  }
0x18: {  	v2 =	vld [tilespmem:s17+$0xFFFFFFF0];
	vm14 =	vle.s32 v4, v1;
	v7 =	vadd.s32 v8, v7;
	v8 =	vsel vm13, $0x1, v0  }
0x19: {  	v3 =	vld [tilespmem:s17+$0x0];
	vm15 =	vle.s32 v6, v1;
	v7 =	vadd.s32 v8, v7;
	v8 =	vsel vm14, $0x1, v0  }
0x1a: {  	s18 =	simm.s32 $0x4;
	v4 =	vld [tilespmem:s17+$0x10];
	v6 =	vadd.s32 v8, v7;
	v7 =	vsel vm15, $0x1, v0  }
.LBB2_3:
0x1b: {  	s18 =	sadd.s32 $0x4, s18  }
0x1c: {  	v6 =	vadd.s32 v7, v6;
	p1 =	slt.u32 s18, $0xFFC  }
.Ltmp0:
0x1d: {  	s17 =	sadd.s32 $0x40, s17;
	vm0 =	vle.s32 v5, v1;
	(pc) =	sbr.rel @p1 .LBB2_3-.Ltmp0, $4  }
0x1e: {  	v5 =	vld [tilespmem:s17+$0xFFFFFFE0];
	v7 =	vsel vm0, $0x1, v0;
	vm0 =	vle.s32 v2, v1  }
0x1f: {  	v2 =	vld [tilespmem:s17+$0xFFFFFFF0];
	v6 =	vadd.s32 v7, v6;
	v7 =	vsel vm0, $0x1, v0;
	vm0 =	vle.s32 v3, v1  }
0x20: {  	v3 =	vld [tilespmem:s17+$0x0];
	v6 =	vadd.s32 v7, v6;
	v7 =	vsel vm0, $0x1, v0;
	vm0 =	vle.s32 v4, v1  }
0x21: {  	v4 =	vld [tilespmem:s17+$0x10];
	v6 =	vadd.s32 v7, v6;
	v7 =	vsel vm0, $0x1, v0  }
0x22: {  	[tilespmem:s4], [sflag:$0x1] =	stream.linear.gather [hbm4b:s6+s4], $0x10000, $0x38;
	[tilespmem:$0x10890] =	vst v63  }
0x23: {  	_ =	swait.ge [sflag:s9], $0x10000  }
0x24: {  	[sflag:s9] =	ssyncset.done $0x0  }
0x25: {  	s17 =	simm.s32 $0x20;
	[sflag:s9] =	ssyncadd.s32 $0xFFFF0000  }
0x26: {  	v8 =	vld [tilespmem:s17+$0xFFFFFFE0]  }
0x27: {  	vm0 =	vle.s32 v5, v1;
	v5 =	vld [tilespmem:s17+$0xFFFFFFF0]  }
0x28: {  	v6 =	vadd.s32 v7, v6;
	v7 =	vsel vm0, $0x1, v0;
	vm9 =	vle.s32 v2, v1;
	v9 =	vld [tilespmem:s17+$0x0]  }
0x29: {  	v2 =	vadd.s32 v7, v6;
	v6 =	vsel vm9, $0x1, v0;
	vm10 =	vle.s32 v3, v1;
	v7 =	vld [tilespmem:s17+$0x10]  }
0x2a: {  	v2 =	vadd.s32 v6, v2;
	v3 =	vsel vm10, $0x1, v0;
	vm11 =	vle.s32 v4, v1  }
0x2b: {  	s17 =	simm.s32 $0x60;
	v2 =	vadd.s32 v3, v2;
	v3 =	vsel vm11, $0x1, v0;
	vm12 =	vle.s32 v8, v1  }
0x2c: {  	v4 =	vadd.s32 v3, v2;
	v3 =	vld [tilespmem:s17+$0xFFFFFFE0];
	vm13 =	vle.s32 v5, v1;
	v6 =	vsel vm12, $0x1, v0  }
0x2d: {  	v2 =	vld [tilespmem:s17+$0xFFFFFFF0];
	vm14 =	vle.s32 v9, v1;
	v5 =	vadd.s32 v6, v4;
	v6 =	vsel vm13, $0x1, v0  }
0x2e: {  	vm15 =	vle.s32 v7, v1;
	v8 =	vsel vm14, $0x1, v0;
	v4 =	vld [tilespmem:s17+$0x0];
	v6 =	vadd.s32 v6, v5  }
0x2f: {  	s18 =	simm.s32 $0x4;
	v7 =	vsel vm15, $0x1, v0;
	v5 =	vld [tilespmem:s17+$0x10];
	v6 =	vadd.s32 v8, v6  }
.LBB2_5:
0x30: {  	s18 =	sadd.s32 $0x4, s18  }
0x31: {  	v6 =	vadd.s32 v7, v6;
	p1 =	slt.u32 s18, $0xFFC  }
.Ltmp1:
0x32: {  	s17 =	sadd.s32 $0x40, s17;
	vm0 =	vle.s32 v3, v1;
	(pc) =	sbr.rel @p1 .LBB2_5-.Ltmp1, $4  }
0x33: {  	v3 =	vld [tilespmem:s17+$0xFFFFFFE0];
	v7 =	vsel vm0, $0x1, v0;
	vm0 =	vle.s32 v2, v1  }
0x34: {  	v2 =	vld [tilespmem:s17+$0xFFFFFFF0];
	v6 =	vadd.s32 v7, v6;
	v7 =	vsel vm0, $0x1, v0;
	vm0 =	vle.s32 v4, v1  }
0x35: {  	v4 =	vld [tilespmem:s17+$0x0];
	v6 =	vadd.s32 v7, v6;
	v7 =	vsel vm0, $0x1, v0;
	vm0 =	vle.s32 v5, v1  }
0x36: {  	v5 =	vld [tilespmem:s17+$0x10];
	v6 =	vadd.s32 v7, v6;
	v7 =	vsel vm0, $0x1, v0  }
0x37: {  	_ = 	snop  }
0x38: {  	vm0 =	vle.s32 v3, v1  }
0x39: {  	v3 =	vadd.s32 v7, v6;
	v54 =	vsel vm0, $0x1, v0;
	vm13 =	vle.s32 v2, v1  }
0x3a: {  	v2 =	vadd.s32 v54, v3;
	v3 =	vsel vm13, $0x1, v0;
	vm14 =	vle.s32 v4, v1  }
0x3b: {  	v2 =	vadd.s32 v3, v2;
	v3 =	vsel vm14, $0x1, v0;
	vm15 =	vle.s32 v5, v1  }
0x3c: {  	v1 =	vadd.s32 v3, v2;
	v2 =	vsel vm15, $0x1, v0  }
0x3d: {  	v1 =	vadd.s32 v2, v1  }
0x3e: {  	[tilespmem:$0x10800] =	vst v1  }
0x3f: {  	[spmem:s7] =	stream.linear.scatter [tilespmem:s10], [sflag:$0x1], $0x80, $0x38;
	[tilespmem:$0x10890] =	vst v63  }
0x40: {  	_ =	swait.ge [sflag:s9], $0x80  }
0x41: {  	[sflag:s9] =	ssyncset.done $0x0  }
0x42: {  	[sflag:s9] =	ssyncadd.s32 $0xFFFFFF80  }
0x43: {  	[bflag:$0x0] =	sbarrier.arrive $0xFFFF  }
0x44: {  	[tilespmem:s11], [sflag:$0x1] =	stream.linear.gather [spmem:s3], $0x800, $0x38;
	[tilespmem:$0x10890] =	vst v63  }
0x45: {  	_ =	swait.ge [sflag:s9], $0x800  }
0x46: {  	[sflag:s9] =	ssyncset.done $0x0  }
0x47: {  	[sflag:s9] =	ssyncadd.s32 $0xFFFFF800  }
0x48: {  	[bflag:$0x0] =	sbarrier.arrive $0xFFFF  }
0x49: {  	v1 =	vld [tilespmem:$0x10000]  }
0x4a: {  	v2 =	vld [tilespmem:$0x10080]  }
0x4b: {  	v3 =	vld [tilespmem:$0x10100]  }
0x4c: {  	v55 =	vld [tilespmem:$0x10180]  }
0x4d: {  	v56 =	vld [tilespmem:$0x10200]  }
0x4e: {  	v57 =	vld [tilespmem:$0x10280]  }
0x4f: {  	v1 =	vadd.s32 v1, v2;
	v2 =	vld [tilespmem:$0x10300]  }
0x50: {  	v1 =	vadd.s32 v3, v1;
	v3 =	vld [tilespmem:$0x10380]  }
0x51: {  	v58 =	vld [tilespmem:$0x10400];
	v1 =	vadd.s32 v55, v1  }
0x52: {  	v59 =	vld [tilespmem:$0x10480];
	v1 =	vadd.s32 v56, v1  }
0x53: {  	v60 =	vld [tilespmem:$0x10500];
	v1 =	vadd.s32 v57, v1  }
0x54: {  	v1 =	vadd.s32 v2, v1;
	v2 =	vld [tilespmem:$0x10580]  }
0x55: {  	v1 =	vadd.s32 v3, v1;
	v3 =	vld [tilespmem:$0x10600]  }
0x56: {  	v61 =	vld [tilespmem:$0x10680];
	v1 =	vadd.s32 v58, v1  }
0x57: {  	v62 =	vld [tilespmem:$0x10700];
	v1 =	vadd.s32 v59, v1  }
0x58: {  	v63 =	vld [tilespmem:$0x10780];
	v1 =	vadd.s32 v60, v1  }
0x59: {  	v1 =	vadd.s32 v2, v1  }
0x5a: {  	v1 =	vadd.s32 v3, v1  }
0x5b: {  	v1 =	vadd.s32 v61, v1  }
0x5c: {  	v1 =	vadd.s32 v62, v1  }
0x5d: {  	v1 =	vadd.s32 v63, v1  }
0x5e: {  	(v2sf) =	vpush v1, $0x0  }
0x5f: {  	(v2sf) =	vpush v1, $0x1  }
0x60: {  	(v2sf) =	vpush v1, $0x2  }
0x61: {  	(v2sf) =	vpush v1, $0x3  }
0x62: {  	(v2sf) =	vpush v1, $0x4  }
0x63: {  	(v2sf) =	vpush v1, $0x5  }
0x64: {  	(v2sf) =	vpush v1, $0x6  }
0x65: {  	(v2sf) =	vpush v1, $0x7  }
0x66: {  	(v2sf) =	vpush v1, $0x8  }
0x67: {  	(v2sf) =	vpush v1, $0x9  }
0x68: {  	(v2sf) =	vpush v1, $0xA  }
0x69: {  	(v2sf) =	vpush v1, $0xB  }
0x6a: {  	(v2sf) =	vpush v1, $0xC  }
0x6b: {  	(v2sf) =	vpush v1, $0xD  }
0x6c: {  	(v2sf) =	vpush v1, $0xE  }
0x6d: {  	s17 =	spop (v2sf);
	(v2sf) =	vpush v1, $0xF  }
0x6e: {  	s18 =	spop (v2sf)  }
0x6f: {  	s17 =	sadd.s32 s18, s17;
	s30 =	spop (v2sf)  }
0x70: {  	s17 =	sadd.s32 s30, s17;
	s31 =	spop (v2sf)  }
0x71: {  	s17 =	sadd.s32 s31, s17;
	s19 =	spop (v2sf)  }
0x72: {  	s17 =	sadd.s32 s19, s17;
	s20 =	spop (v2sf)  }
0x73: {  	s17 =	sadd.s32 s20, s17;
	s21 =	spop (v2sf)  }
0x74: {  	s17 =	sadd.s32 s21, s17;
	s22 =	spop (v2sf)  }
0x75: {  	s17 =	sadd.s32 s22, s17;
	s23 =	spop (v2sf)  }
0x76: {  	s17 =	sadd.s32 s23, s17;
	s24 =	spop (v2sf)  }
0x77: {  	s17 =	sadd.s32 s24, s17;
	s25 =	spop (v2sf)  }
0x78: {  	s17 =	sadd.s32 s25, s17;
	s26 =	spop (v2sf)  }
0x79: {  	s17 =	sadd.s32 s26, s17;
	s28 =	spop (v2sf)  }
0x7a: {  	s14 =	sadd.s32 $0x1, s14;
	s17 =	sadd.s32 s28, s17;
	s29 =	spop (v2sf)  }
0x7b: {  	p2 =	sne.s32 s14, $0x1F;
	s17 =	sadd.s32 s29, s17;
	s30 =	spop (v2sf)  }
.Ltmp2:
0x7c: {  	s17 =	sadd.s32 s30, s17;
	s31 =	spop (v2sf);
	(pc) =	sbr.rel @p2 .LBB2_2-.Ltmp2, $4  }
0x7d: {  	s17 =	sadd.s32 s31, s17  }
0x7e: {  	p1 =	sgt.s32 s17, $0x1FFFF;
	s17 =	sadd.s32 $0x1, s16  }
0x7f: {  	s17 =	smov.u32 @p1 s15  }
0x80: {  	s13 =	smov.u32 @p1 s16;
	s15 =	smov.u32 s17  }
0x81: {  	v1 =	vmov @!p0 s17;
	s12 =	sadd.s32 $0x1, s12  }
0x82: {  	s13 =	simm.s32 @!p0 $0x0;
	s14 =	simm.s32 @!p0 $0x10800;
	[tilespmem:$0x10800] =	vst @!p0 v1;
	p1 =	sne.s32 s12, s8  }
0x83: {  	[hbm4b:s1+s13] =	stream.linear.scatter @!p0 [tilespmem:s14], [sflag:$0x1], $0x80, $0x38;
	[tilespmem:$0x10890] =	vst v63  }
.Ltmp3:
0x84: {  	_ = 	snop;
	(pc) =	sbr.rel @p1 .LBB2_1-.Ltmp3, $4  }
0x85: {  	s13 =	simm.s32 @!p0 $0x1  }
0x86: {  	_ =	swait.ge @!p0 [sflag:s13], $0x80  }
0x87: {  	[sflag:s13] =	ssyncset.done @!p0 $0x0  }
0x88: {  	[sflag:s13] =	ssyncadd.s32 @!p0 $0xFFFFFF80  }
0x89: {  	_ =	sfence.sel $0x180000  }
0x8a: {  	[bflag:$0x0] =	sbarrier.arrive $0xFFFF  }
0x8b: {  	p0 =	sne.s32 s2, $0x0;
	_ =	strace $0x90000047  }
0x8c: {  	s0 =	sadd.s32 @!p0 $0x100000, s0;
	[bflag:$0x2] =	sbarrier.arrive $0xFFFF  }
0x8d: {  	[sflag:s0] =	ssyncadd.tile.s32 @!p0 $0x1;
	_ =	shalt  }
.Lfunc_end2:
_tile_overlayer_lowered:
.L_overlay_start_2:
0x8e: {  	(tag) =	ssettag $0x2  }
0x8f: {  	s0 =	rddreg [dreg:$0x0];
	s2 =	stileid.u32  }
0x90: {  	s1 =	rddreg [dreg:$0x1];
	p0 =	sne.s32 s2, $0x0  }
0x91: {  	s3 =	rddreg [dreg:$0x2];
	[bflag:$0x3] =	sbarrier.arrive $0xFFFF;
	s2 =	simm.s32 @!p0 $0x1C01  }
0x92: {  	[timem:s3], [sflag:s2] =	dma.local @!p0 [hbm:s0], s1  }
0x93: {  	s0 =	simm.s32 @!p0 $0x1  }
0x94: {  	_ =	swait.ge @!p0 [sflag:s0], s1  }
0x95: {  	s1 =	ssub.s32 @!p0 $0x0, s1;
	[sflag:s0] =	ssyncset.done @!p0 $0x0  }
0x96: {  	[sflag:s0] =	ssyncadd.s32 @!p0 s1  }
0x97: {  	[bflag:$0x3] =	sbarrier.arrive $0xFFFF  }
0x98: {  	_ =	shalt  }

</sc_bundles>
